<compile_context>
chip_gen: v7x
topology: tpu7x:2x2x1
jax: 0.10.2.dev20260603
libtpu: 0.0.44.dev20260713+nightly
codegen_flags: <defaults>
</compile_context>

<pallas_src>
import functools

import jax
import jax.numpy as jnp
from jax import lax
from jax.experimental import pallas as pl
from jax.experimental.pallas import tpu as pltpu
from jax.experimental.pallas import tpu_sc as plsc

N_NODES = 10000
D = 128
N_EDGES = 320000

NC, NS = 2, 16
CHUNK = 128
N_CHUNKS = N_EDGES // CHUNK
CHUNKS_SC0 = 79
SC0_CHUNKS = NS * CHUNKS_SC0
SC1_CHUNKS = N_CHUNKS - SC0_CHUNKS
ACC_ROWS = 10112

ROWS_PER_SUB = ACC_ROWS // NS


def _sc_aggregate(x, edges):
  mesh = plsc.VectorSubcoreMesh(core_axis_name="c", subcore_axis_name="s")

  @functools.partial(
      pl.kernel,
      out_type=jax.ShapeDtypeStruct((NC, ACC_ROWS, D), jnp.float32),
      mesh=mesh,
      scratch_types=[
          pltpu.VMEM((3, CHUNK), jnp.int32),
          pltpu.VMEM((3, CHUNK), jnp.int32),
          pltpu.VMEM((3, CHUNK, D), jnp.float32),
          pltpu.VMEM_SHARED((ACC_ROWS, D), jnp.float32),
          pltpu.SemaphoreType.DMA,
          pltpu.SemaphoreType.DMA,
          pltpu.SemaphoreType.DMA((3,)),
      ],
  )
  def agg(x_hbm, edges_hbm, out_hbm, s_idx, d_idx, rows, acc,
          sem_s, sem_d, sem_g):
    cid = lax.axis_index("c")
    sid = lax.axis_index("s")

    @pl.loop(0, CHUNK)
    def _(r):
      @pl.loop(0, D, step=16)
      def _(c):
        rows[0, r, pl.ds(c, 16)] = jnp.zeros((16,), jnp.float32)

    @pl.loop(0, ROWS_PER_SUB // CHUNK)
    def _(k):
      pltpu.sync_copy(
          rows.at[0],
          acc.at[pl.ds(sid * ROWS_PER_SUB + k * CHUNK, CHUNK)])

    pltpu.sync_copy(
        rows.at[0, pl.ds(0, ROWS_PER_SUB % CHUNK)],
        acc.at[pl.ds(sid * ROWS_PER_SUB + (ROWS_PER_SUB // CHUNK) * CHUNK,
                     ROWS_PER_SUB % CHUNK)])

    plsc.subcore_barrier()

    base_chunk = jnp.where(
        cid == 0, sid * CHUNKS_SC0,
        SC0_CHUNKS + sid * 77 + jnp.minimum(sid, 4))
    nchunks = jnp.where(cid == 0, CHUNKS_SC0,
                        jnp.where(sid < 4, 78, 77))
    base = base_chunk * CHUNK

    def idx_start(j, p):
      off = base + j * CHUNK
      pltpu.async_copy(edges_hbm.at[pl.ds(off, CHUNK)], s_idx.at[p], sem_s)
      pltpu.async_copy(edges_hbm.at[pl.ds(N_EDGES + off, CHUNK)],
                       d_idx.at[p], sem_d)

    def idx_wait(j, p):
      off = base + j * CHUNK
      pltpu.make_async_copy(edges_hbm.at[pl.ds(off, CHUNK)], s_idx.at[p],
                            sem_s).wait()
      pltpu.make_async_copy(edges_hbm.at[pl.ds(N_EDGES + off, CHUNK)],
                            d_idx.at[p], sem_d).wait()

    def gather_start(p):
      pltpu.async_copy(x_hbm.at[s_idx.at[p]], rows.at[p], sem_g.at[p])

    def gather_wait(p):
      pltpu.make_async_copy(x_hbm.at[s_idx.at[p]], rows.at[p],
                            sem_g.at[p]).wait()

    idx_start(0, 0)
    idx_wait(0, 0)
    gather_start(0)
    idx_start(1, 1)
    idx_wait(1, 1)
    gather_start(1)
    idx_start(2, 2)

    @pl.loop(0, nchunks)
    def _(j):
      p = lax.rem(j, 3)
      gather_wait(p)

      @pl.when(j + 2 < nchunks)
      def _():
        q = lax.rem(j + 2, 3)
        idx_wait(j + 2, q)
        gather_start(q)

      pltpu.sync_copy(rows.at[p], acc.at[d_idx.at[p]], add=True)

      @pl.when(j + 3 < nchunks)
      def _():
        idx_start(j + 3, p)

    plsc.subcore_barrier()

    rbase = sid * ROWS_PER_SUB
    pltpu.sync_copy(acc.at[pl.ds(rbase, ROWS_PER_SUB)],
                    out_hbm.at[cid, pl.ds(rbase, ROWS_PER_SUB)])

  return agg(x, edges)


def _tc_combine(partials, W):

  def body(p_ref, w_ref, o_ref):
    a = p_ref[0, :N_NODES] + p_ref[1, :N_NODES]
    o_ref[...] = lax.dot_general(
        a, w_ref[...], (((1,), (1,)), ((), ())),
        preferred_element_type=jnp.float32)

  return pl.pallas_call(
      body,
      out_shape=jax.ShapeDtypeStruct((N_NODES, D), jnp.float32),
  )(partials, W)


def kernel(x, W, edge_index, counts, out_edge_index, layer_i):
  del counts, out_edge_index, layer_i
  partials = _sc_aggregate(x, edge_index.reshape(-1))
  return _tc_combine(partials, W)

# --- scband reference (transcript-rebuilt; emitter-appended) ---
"""Pipeline reference for scband-my-gcnlayer-2568390443564 (READ-ONLY COPY).

The authoritative reference and input builder live on the scoring server;
editing this copy changes nothing except your own understanding.
"""

import jax, jax.numpy as jnp
import numpy as np
import math

N, E, D_IN, D_OUT = 10000, 320000, 128, 128

def setup_inputs(seed: int = 0) -> dict:
    key = jax.random.key(seed)
    k1, k2, k3, k4, k5 = jax.random.split(key, 5)
    x = jax.random.normal(k1, (N, D_IN), dtype=jnp.float32)
    edge_index = jax.random.randint(k2, (2, E), 0, N, dtype=jnp.int32)
    counts = jax.random.randint(k3, (N,), 0, 32, dtype=jnp.int32)
    out_edge_index = jax.random.randint(k4, (E,), 0, E, dtype=jnp.int32)
    # glorot init for lin.weight of shape (out_dim, in_dim)
    stdv = math.sqrt(6.0 / (D_IN + D_OUT))
    W = jax.random.uniform(k5, (D_OUT, D_IN), dtype=jnp.float32, minval=-stdv, maxval=stdv)
    layer_i = 0
    return {"x": x, "W": W, "edge_index": edge_index, "counts": counts, "out_edge_index": out_edge_index, "layer_i": layer_i}

def reference(x, W, edge_index, counts, out_edge_index, layer_i):
    # GCN layer semantics (as implemented by the module's propagate/message/aggr path):
    # 1) linear transform h = x @ W^T  (lin has bias=False)
    # 2) gather messages from source nodes: x_j = h[edge_index[0]]
    # 3) sum-aggregate messages at destination nodes: scatter_add by edge_index[1]
    # 4) add bias, which forward() explicitly sets to zeros
    h = x @ W.T
    src = edge_index[0]
    dst = edge_index[1]
    msgs = jnp.take(h, src, axis=0)
    out = jax.ops.segment_sum(msgs, dst, num_segments=x.shape[0])
    bias = jnp.zeros((W.shape[0],), dtype=out.dtype)
    return out + bias

if __name__ == "__main__":
    import jax
    _d = setup_inputs()
    print(jax.jit(kernel)(*tuple(_d.values())))

</pallas_src>

<mosaic_0001>
#map = affine_map<(d0, d1) -> (0, 0)>
#map1 = affine_map<(d0, d1) -> (0)>
#map2 = affine_map<(d0, d1) -> (0, 0, 0)>
module attributes {stable_mosaic.version = 14 : i64} {
  func.func @agg(%arg0: i32, %arg1: i32, %arg2: memref<10000x128xf32, #tpu.memory_space<hbm>>, %arg3: memref<640000xi32, #tpu.memory_space<hbm>>, %arg4: memref<2x10112x128xf32, #tpu.memory_space<hbm>>, %arg5: memref<3x128xi32, #tpu.memory_space<vmem>>, %arg6: memref<3x128xi32, #tpu.memory_space<vmem>>, %arg7: memref<3x128x128xf32, #tpu.memory_space<vmem>>, %arg8: memref<10112x128xf32, #tpu.memory_space<vmem_shared>>, %arg9: memref<!tpu.dma_semaphore, #tpu.memory_space<semaphore_mem>>, %arg10: memref<!tpu.dma_semaphore, #tpu.memory_space<semaphore_mem>>, %arg11: memref<3x!tpu.dma_semaphore, #tpu.memory_space<semaphore_mem>>) attributes {dimension_semantics = [#tpu.dimension_semantics<core_parallel>, #tpu.dimension_semantics<subcore_parallel>], iteration_bounds = array<i64: 2, 16>, scalar_prefetch = 0 : i64, scratch_operands = 7 : i64, tpu.core_type = #tpu.core_type<sc_vector_subcore>, window_params = [{transform_indices = #map}, {transform_indices = #map1}, {transform_indices = #map2}]} {
    %scan3A = arith.constant 0 : i32
    %scan3A_0 = arith.constant 128 : i32
    %scan3A_1 = arith.addi %scan3A, %scan3A_0 : i32
    %scan3A_2 = arith.constant 1 : i32
    scf.for %scan3A_186 = %scan3A to %scan3A_1 step %scan3A_2  : i32 {
      %mul3A_187 = arith.constant 1 : i32
      %mul3A_188 = arith.muli %scan3A_186, %mul3A_187 : i32
      %add3A_189 = arith.constant 0 : i32
      %add3A_190 = arith.addi %add3A_189, %mul3A_188 : i32
      %scan3A_191 = arith.constant 0 : i32
      %scan3A_192 = arith.constant 8 : i32
      %scan3A_193 = arith.addi %scan3A_191, %scan3A_192 : i32
      %scan3A_194 = arith.constant 1 : i32
      scf.for %scan3A_196 = %scan3A_191 to %scan3A_193 step %scan3A_194  : i32 {
        %mul3A_197 = arith.constant 16 : i32
        %mul3A_198 = arith.muli %scan3A_196, %mul3A_197 : i32
        %add3A_199 = arith.constant 0 : i32
        %add3A_200 = arith.addi %add3A_199, %mul3A_198 : i32
        %broadcast_in_dim3A = arith.constant 0.000000e+00 : f32
        %broadcast_in_dim3A_201 = vector.broadcast %broadcast_in_dim3A : f32 to vector<16xf32>
        %swap3A = arith.constant 0 : i32
        %swap3A_202 = arith.index_cast %swap3A : i32 to index
        %swap3A_203 = arith.index_cast %add3A_190 : i32 to index
        %swap3A_204 = arith.index_cast %add3A_200 : i32 to index
        %swap3A_205 = tpu.vector_load %arg7[%swap3A_202, %swap3A_203, %swap3A_204] {strides = array<i32>} : memref<3x128x128xf32, #tpu.memory_space<vmem>>, vector<1x1x16xf32>,
        %swap3A_206 = vector.shape_cast %swap3A_205 : vector<1x1x16xf32> to vector<16xf32>
        %swap3A_207 = vector.shape_cast %broadcast_in_dim3A_201 : vector<16xf32> to vector<1x1x16xf32>
        tpu.vector_store %arg7[%swap3A_202, %swap3A_203, %swap3A_204], %swap3A_207 {strides = array<i32>} : memref<3x128x128xf32, #tpu.memory_space<vmem>>, vector<1x1x16xf32>,
      }
      %scan3A_195 = arith.constant 8 : i32
    }
    %scan3A_3 = arith.constant 128 : i32
    %scan3A_4 = arith.constant 0 : i32
    %scan3A_5 = arith.constant 4 : i32
    %scan3A_6 = arith.addi %scan3A_4, %scan3A_5 : i32
    %scan3A_7 = arith.constant 1 : i32
    scf.for %scan3A_186 = %scan3A_4 to %scan3A_6 step %scan3A_7  : i32 {
      %mul3A_187 = arith.constant 1 : i32
      %mul3A_188 = arith.muli %scan3A_186, %mul3A_187 : i32
      %add3A_189 = arith.constant 0 : i32
      %add3A_190 = arith.addi %add3A_189, %mul3A_188 : i32
      %mul3A_191 = arith.constant 632 : i32
      %mul3A_192 = arith.muli %arg1, %mul3A_191 : i32
      %mul3A_193 = arith.constant 128 : i32
      %mul3A_194 = arith.muli %add3A_190, %mul3A_193 : i32
      %add3A_195 = arith.addi %mul3A_192, %mul3A_194 : i32
      %run_scoped3A_196 = arith.constant 0 : i32
      "tpu.region"() ({
        %run_scoped3A_197 = tpu.sem_alloc : memref<!tpu.dma_semaphore, #tpu.memory_space<semaphore_mem>>
        %dma_start3A_198 = arith.constant 0 : i32
        %dma_start3A_199 = arith.constant 0 : i32
        %dma_start3A_200 = tpu.memref_slice %arg7[%run_scoped3A_196, %dma_start3A_198, %dma_start3A_199] : memref<3x128x128xf32, #tpu.memory_space<vmem>> -> memref<1x128x128xf32, #tpu.memory_space<vmem>>
        %dma_start3A_201 = tpu.memref_squeeze %dma_start3A_200 : memref<1x128x128xf32, #tpu.memory_space<vmem>> -> memref<128x128xf32, #tpu.memory_space<vmem>>
        %dma_start3A_202 = arith.constant 0 : i32
        %dma_start3A_203 = tpu.memref_slice %arg8[%add3A_195, %dma_start3A_202] : memref<10112x128xf32, #tpu.memory_space<vmem_shared>> -> memref<128x128xf32, #tpu.memory_space<vmem_shared>>
        %dma_start3A_204 = arith.constant 0 : i32
        %dma_start3A_205 = tpu.memref_slice %arg8[%add3A_195, %dma_start3A_204] : memref<10112x128xf32, #tpu.memory_space<vmem_shared>> -> memref<128x128xf32, #tpu.memory_space<vmem_shared>>
        %dma_start3A_206 = arith.constant 0 : i32
        %dma_start3A_207 = arith.constant 0 : i32
        %dma_start3A_208 = tpu.memref_slice %arg7[%run_scoped3A_196, %dma_start3A_206, %dma_start3A_207] : memref<3x128x128xf32, #tpu.memory_space<vmem>> -> memref<1x128x128xf32, #tpu.memory_space<vmem>>
        %dma_start3A_209 = tpu.memref_squeeze %dma_start3A_208 : memref<1x128x128xf32, #tpu.memory_space<vmem>> -> memref<128x128xf32, #tpu.memory_space<vmem>>
        tpu.enqueue_dma source(%dma_start3A_209 : memref<128x128xf32, #tpu.memory_space<vmem>>) target(%dma_start3A_205 : memref<128x128xf32, #tpu.memory_space<vmem_shared>>) target_semaphore(%run_scoped3A_197 : memref<!tpu.dma_semaphore, #tpu.memory_space<semaphore_mem>>)
        %dma_wait3A_210 = arith.constant 0 : i32
        %dma_wait3A_211 = arith.constant 0 : i32
        %dma_wait3A_212 = tpu.memref_slice %arg7[%run_scoped3A_196, %dma_wait3A_210, %dma_wait3A_211] : memref<3x128x128xf32, #tpu.memory_space<vmem>> -> memref<1x128x128xf32, #tpu.memory_space<vmem>>
        %dma_wait3A_213 = tpu.memref_squeeze %dma_wait3A_212 : memref<1x128x128xf32, #tpu.memory_space<vmem>> -> memref<128x128xf32, #tpu.memory_space<vmem>>
        %dma_wait3A_214 = arith.constant 0 : i32
        %dma_wait3A_215 = tpu.memref_slice %arg8[%add3A_195, %dma_wait3A_214] : memref<10112x128xf32, #tpu.memory_space<vmem_shared>> -> memref<128x128xf32, #tpu.memory_space<vmem_shared>>
        %dma_wait3A_216 = arith.constant 0 : i32
        %dma_wait3A_217 = tpu.memref_slice %arg8[%add3A_195, %dma_wait3A_216] : memref<10112x128xf32, #tpu.memory_space<vmem_shared>> -> memref<128x128xf32, #tpu.memory_space<vmem_shared>>
        %dma_wait3A_218 = arith.constant 0 : i32
        %dma_wait3A_219 = arith.constant 0 : i32
        %dma_wait3A_220 = tpu.memref_slice %arg7[%run_scoped3A_196, %dma_wait3A_218, %dma_wait3A_219] : memref<3x128x128xf32, #tpu.memory_space<vmem>> -> memref<1x128x128xf32, #tpu.memory_space<vmem>>
        %dma_wait3A_221 = tpu.memref_squeeze %dma_wait3A_220 : memref<1x128x128xf32, #tpu.memory_space<vmem>> -> memref<128x128xf32, #tpu.memory_space<vmem>>
        tpu.wait_dma2 semaphore(%run_scoped3A_197 : memref<!tpu.dma_semaphore, #tpu.memory_space<semaphore_mem>>) src(%dma_wait3A_221 : memref<128x128xf32, #tpu.memory_space<vmem>>) dst(%dma_wait3A_217 : memref<128x128xf32, #tpu.memory_space<vmem_shared>>)
        tpu.yield
      }) : () -> ()
    }
    %scan3A_8 = arith.constant 4 : i32
    %mul3A = arith.constant 632 : i32
    %mul3A_9 = arith.muli %arg1, %mul3A : i32
    %add3A = arith.constant 512 : i32
    %add3A_10 = arith.addi %mul3A_9, %add3A : i32
    %run_scoped3A = arith.constant 0 : i32
    "tpu.region"() ({
      %run_scoped3A_186 = tpu.sem_alloc : memref<!tpu.dma_semaphore, #tpu.memory_space<semaphore_mem>>
      %dma_start3A_187 = arith.constant 0 : i32
      %dma_start3A_188 = arith.constant 0 : i32
      %dma_start3A_189 = tpu.memref_slice %arg7[%run_scoped3A, %dma_start3A_187, %dma_start3A_188] : memref<3x128x128xf32, #tpu.memory_space<vmem>> -> memref<1x120x128xf32, #tpu.memory_space<vmem>>
      %dma_start3A_190 = tpu.memref_squeeze %dma_start3A_189 : memref<1x120x128xf32, #tpu.memory_space<vmem>> -> memref<120x128xf32, #tpu.memory_space<vmem>>
      %dma_start3A_191 = arith.constant 0 : i32
      %dma_start3A_192 = tpu.memref_slice %arg8[%add3A_10, %dma_start3A_191] : memref<10112x128xf32, #tpu.memory_space<vmem_shared>> -> memref<120x128xf32, #tpu.memory_space<vmem_shared>>
      %dma_start3A_193 = arith.constant 0 : i32
      %dma_start3A_194 = tpu.memref_slice %arg8[%add3A_10, %dma_start3A_193] : memref<10112x128xf32, #tpu.memory_space<vmem_shared>> -> memref<120x128xf32, #tpu.memory_space<vmem_shared>>
      %dma_start3A_195 = arith.constant 0 : i32
      %dma_start3A_196 = arith.constant 0 : i32
      %dma_start3A_197 = tpu.memref_slice %arg7[%run_scoped3A, %dma_start3A_195, %dma_start3A_196] : memref<3x128x128xf32, #tpu.memory_space<vmem>> -> memref<1x120x128xf32, #tpu.memory_space<vmem>>
      %dma_start3A_198 = tpu.memref_squeeze %dma_start3A_197 : memref<1x120x128xf32, #tpu.memory_space<vmem>> -> memref<120x128xf32, #tpu.memory_space<vmem>>
      tpu.enqueue_dma source(%dma_start3A_198 : memref<120x128xf32, #tpu.memory_space<vmem>>) target(%dma_start3A_194 : memref<120x128xf32, #tpu.memory_space<vmem_shared>>) target_semaphore(%run_scoped3A_186 : memref<!tpu.dma_semaphore, #tpu.memory_space<semaphore_mem>>)
      %dma_wait3A_199 = arith.constant 0 : i32
      %dma_wait3A_200 = arith.constant 0 : i32
      %dma_wait3A_201 = tpu.memref_slice %arg7[%run_scoped3A, %dma_wait3A_199, %dma_wait3A_200] : memref<3x128x128xf32, #tpu.memory_space<vmem>> -> memref<1x120x128xf32, #tpu.memory_space<vmem>>
      %dma_wait3A_202 = tpu.memref_squeeze %dma_wait3A_201 : memref<1x120x128xf32, #tpu.memory_space<vmem>> -> memref<120x128xf32, #tpu.memory_space<vmem>>
      %dma_wait3A_203 = arith.constant 0 : i32
      %dma_wait3A_204 = tpu.memref_slice %arg8[%add3A_10, %dma_wait3A_203] : memref<10112x128xf32, #tpu.memory_space<vmem_shared>> -> memref<120x128xf32, #tpu.memory_space<vmem_shared>>
      %dma_wait3A_205 = arith.constant 0 : i32
      %dma_wait3A_206 = tpu.memref_slice %arg8[%add3A_10, %dma_wait3A_205] : memref<10112x128xf32, #tpu.memory_space<vmem_shared>> -> memref<120x128xf32, #tpu.memory_space<vmem_shared>>
      %dma_wait3A_207 = arith.constant 0 : i32
      %dma_wait3A_208 = arith.constant 0 : i32
      %dma_wait3A_209 = tpu.memref_slice %arg7[%run_scoped3A, %dma_wait3A_207, %dma_wait3A_208] : memref<3x128x128xf32, #tpu.memory_space<vmem>> -> memref<1x120x128xf32, #tpu.memory_space<vmem>>
      %dma_wait3A_210 = tpu.memref_squeeze %dma_wait3A_209 : memref<1x120x128xf32, #tpu.memory_space<vmem>> -> memref<120x128xf32, #tpu.memory_space<vmem>>
      tpu.wait_dma2 semaphore(%run_scoped3A_186 : memref<!tpu.dma_semaphore, #tpu.memory_space<semaphore_mem>>) src(%dma_wait3A_210 : memref<120x128xf32, #tpu.memory_space<vmem>>) dst(%dma_wait3A_206 : memref<120x128xf32, #tpu.memory_space<vmem_shared>>)
      tpu.yield
    }) : () -> ()
    %barrier3A = arith.constant 0 : index
    tpu.barrier barrier_id(%barrier3A)
    %eq3A = arith.constant 0 : i32
    %eq3A_11 = arith.cmpi eq, %arg0, %eq3A : i32
    %mul3A_12 = arith.constant 79 : i32
    %mul3A_13 = arith.muli %arg1, %mul3A_12 : i32
    %mul3A_14 = arith.constant 77 : i32
    %mul3A_15 = arith.muli %arg1, %mul3A_14 : i32
    %add3A_16 = arith.constant 1264 : i32
    %add3A_17 = arith.addi %add3A_16, %mul3A_15 : i32
    %min3A = arith.constant 4 : i32
    %min3A_18 = arith.minsi %arg1, %min3A : i32
    %add3A_19 = arith.addi %add3A_17, %min3A_18 : i32
    %select_n3A = arith.select %eq3A_11, %mul3A_13, %add3A_19 : i32
    %eq3A_20 = arith.constant 0 : i32
    %eq3A_21 = arith.cmpi eq, %arg0, %eq3A_20 : i32
    %lt3A = arith.constant 4 : i32
    %lt3A_22 = arith.cmpi slt, %arg1, %lt3A : i32
    %jit3A = arith.constant 78 : i32
    %jit3A_23 = arith.constant 77 : i32
    %select_n3A_24 = arith.select %lt3A_22, %jit3A, %jit3A_23 : i32
    %jit3A_25 = arith.constant 79 : i32
    %select_n3A_26 = arith.select %eq3A_21, %jit3A_25, %select_n3A_24 : i32
    %mul3A_27 = arith.constant 128 : i32
    %mul3A_28 = arith.muli %select_n3A, %mul3A_27 : i32
    %add3A_29 = arith.constant 0 : i32
    %add3A_30 = arith.addi %mul3A_28, %add3A_29 : i32
    %dma_start3A = arith.constant 0 : i32
    %dma_start3A_31 = arith.constant 0 : i32
    %dma_start3A_32 = tpu.memref_slice %arg5[%dma_start3A, %dma_start3A_31] : memref<3x128xi32, #tpu.memory_space<vmem>> -> memref<1x128xi32, #tpu.memory_space<vmem>>
    %dma_start3A_33 = tpu.memref_squeeze %dma_start3A_32 : memref<1x128xi32, #tpu.memory_space<vmem>> -> memref<128xi32, #tpu.memory_space<vmem>>
    %dma_start3A_34 = tpu.memref_slice %arg3[%add3A_30] : memref<640000xi32, #tpu.memory_space<hbm>> -> memref<128xi32, #tpu.memory_space<hbm>>
    %dma_start3A_35 = arith.constant 0 : i32
    %dma_start3A_36 = tpu.memref_slice %arg5[%dma_start3A, %dma_start3A_35] : memref<3x128xi32, #tpu.memory_space<vmem>> -> memref<1x128xi32, #tpu.memory_space<vmem>>
    %dma_start3A_37 = tpu.memref_squeeze %dma_start3A_36 : memref<1x128xi32, #tpu.memory_space<vmem>> -> memref<128xi32, #tpu.memory_space<vmem>>
    %dma_start3A_38 = tpu.memref_slice %arg3[%add3A_30] : memref<640000xi32, #tpu.memory_space<hbm>> -> memref<128xi32, #tpu.memory_space<hbm>>
    tpu.enqueue_dma source(%dma_start3A_38 : memref<128xi32, #tpu.memory_space<hbm>>) target(%dma_start3A_37 : memref<128xi32, #tpu.memory_space<vmem>>) target_semaphore(%arg9 : memref<!tpu.dma_semaphore, #tpu.memory_space<semaphore_mem>>)
    %add3A_39 = arith.constant 320000 : i32
    %add3A_40 = arith.addi %add3A_39, %add3A_30 : i32
    %dma_start3A_41 = arith.constant 0 : i32
    %dma_start3A_42 = arith.constant 0 : i32
    %dma_start3A_43 = tpu.memref_slice %arg6[%dma_start3A_41, %dma_start3A_42] : memref<3x128xi32, #tpu.memory_space<vmem>> -> memref<1x128xi32, #tpu.memory_space<vmem>>
    %dma_start3A_44 = tpu.memref_squeeze %dma_start3A_43 : memref<1x128xi32, #tpu.memory_space<vmem>> -> memref<128xi32, #tpu.memory_space<vmem>>
    %dma_start3A_45 = tpu.memref_slice %arg3[%add3A_40] : memref<640000xi32, #tpu.memory_space<hbm>> -> memref<128xi32, #tpu.memory_space<hbm>>
    %dma_start3A_46 = arith.constant 0 : i32
    %dma_start3A_47 = tpu.memref_slice %arg6[%dma_start3A_41, %dma_start3A_46] : memref<3x128xi32, #tpu.memory_space<vmem>> -> memref<1x128xi32, #tpu.memory_space<vmem>>
    %dma_start3A_48 = tpu.memref_squeeze %dma_start3A_47 : memref<1x128xi32, #tpu.memory_space<vmem>> -> memref<128xi32, #tpu.memory_space<vmem>>
    %dma_start3A_49 = tpu.memref_slice %arg3[%add3A_40] : memref<640000xi32, #tpu.memory_space<hbm>> -> memref<128xi32, #tpu.memory_space<hbm>>
    tpu.enqueue_dma source(%dma_start3A_49 : memref<128xi32, #tpu.memory_space<hbm>>) target(%dma_start3A_48 : memref<128xi32, #tpu.memory_space<vmem>>) target_semaphore(%arg10 : memref<!tpu.dma_semaphore, #tpu.memory_space<semaphore_mem>>)
    %add3A_50 = arith.constant 0 : i32
    %add3A_51 = arith.addi %mul3A_28, %add3A_50 : i32
    %dma_wait3A = arith.constant 0 : i32
    %dma_wait3A_52 = arith.constant 0 : i32
    %dma_wait3A_53 = tpu.memref_slice %arg5[%dma_wait3A, %dma_wait3A_52] : memref<3x128xi32, #tpu.memory_space<vmem>> -> memref<1x128xi32, #tpu.memory_space<vmem>>
    %dma_wait3A_54 = tpu.memref_squeeze %dma_wait3A_53 : memref<1x128xi32, #tpu.memory_space<vmem>> -> memref<128xi32, #tpu.memory_space<vmem>>
    %dma_wait3A_55 = tpu.memref_slice %arg3[%add3A_51] : memref<640000xi32, #tpu.memory_space<hbm>> -> memref<128xi32, #tpu.memory_space<hbm>>
    %dma_wait3A_56 = arith.constant 0 : i32
    %dma_wait3A_57 = tpu.memref_slice %arg5[%dma_wait3A, %dma_wait3A_56] : memref<3x128xi32, #tpu.memory_space<vmem>> -> memref<1x128xi32, #tpu.memory_space<vmem>>
    %dma_wait3A_58 = tpu.memref_squeeze %dma_wait3A_57 : memref<1x128xi32, #tpu.memory_space<vmem>> -> memref<128xi32, #tpu.memory_space<vmem>>
    %dma_wait3A_59 = tpu.memref_slice %arg3[%add3A_51] : memref<640000xi32, #tpu.memory_space<hbm>> -> memref<128xi32, #tpu.memory_space<hbm>>
    tpu.wait_dma2 semaphore(%arg9 : memref<!tpu.dma_semaphore, #tpu.memory_space<semaphore_mem>>) src(%dma_wait3A_59 : memref<128xi32, #tpu.memory_space<hbm>>) dst(%dma_wait3A_58 : memref<128xi32, #tpu.memory_space<vmem>>)
    %add3A_60 = arith.constant 320000 : i32
    %add3A_61 = arith.addi %add3A_60, %add3A_51 : i32
    %dma_wait3A_62 = arith.constant 0 : i32
    %dma_wait3A_63 = arith.constant 0 : i32
    %dma_wait3A_64 = tpu.memref_slice %arg6[%dma_wait3A_62, %dma_wait3A_63] : memref<3x128xi32, #tpu.memory_space<vmem>> -> memref<1x128xi32, #tpu.memory_space<vmem>>
    %dma_wait3A_65 = tpu.memref_squeeze %dma_wait3A_64 : memref<1x128xi32, #tpu.memory_space<vmem>> -> memref<128xi32, #tpu.memory_space<vmem>>
    %dma_wait3A_66 = tpu.memref_slice %arg3[%add3A_61] : memref<640000xi32, #tpu.memory_space<hbm>> -> memref<128xi32, #tpu.memory_space<hbm>>
    %dma_wait3A_67 = arith.constant 0 : i32
    %dma_wait3A_68 = tpu.memref_slice %arg6[%dma_wait3A_62, %dma_wait3A_67] : memref<3x128xi32, #tpu.memory_space<vmem>> -> memref<1x128xi32, #tpu.memory_space<vmem>>
    %dma_wait3A_69 = tpu.memref_squeeze %dma_wait3A_68 : memref<1x128xi32, #tpu.memory_space<vmem>> -> memref<128xi32, #tpu.memory_space<vmem>>
    %dma_wait3A_70 = tpu.memref_slice %arg3[%add3A_61] : memref<640000xi32, #tpu.memory_space<hbm>> -> memref<128xi32, #tpu.memory_space<hbm>>
    tpu.wait_dma2 semaphore(%arg10 : memref<!tpu.dma_semaphore, #tpu.memory_space<semaphore_mem>>) src(%dma_wait3A_70 : memref<128xi32, #tpu.memory_space<hbm>>) dst(%dma_wait3A_69 : memref<128xi32, #tpu.memory_space<vmem>>)
    %dma_start3A_71 = arith.constant 0 : i32
    %dma_start3A_72 = arith.constant 0 : i32
    %dma_start3A_73 = arith.constant 0 : i32
    %dma_start3A_74 = arith.constant 0 : i32
    %dma_start3A_75 = arith.constant 0 : i32
    %dma_start3A_76 = tpu.memref_slice %arg7[%dma_start3A_72, %dma_start3A_74, %dma_start3A_75] : memref<3x128x128xf32, #tpu.memory_space<vmem>> -> memref<1x128x128xf32, #tpu.memory_space<vmem>>
    %dma_start3A_77 = tpu.memref_squeeze %dma_start3A_76 : memref<1x128x128xf32, #tpu.memory_space<vmem>> -> memref<128x128xf32, #tpu.memory_space<vmem>>
    %dma_start3A_78 = arith.constant 0 : i32
    %dma_start3A_79 = tpu.memref_slice %arg5[%dma_start3A_71, %dma_start3A_78] : memref<3x128xi32, #tpu.memory_space<vmem>> -> memref<1x128xi32, #tpu.memory_space<vmem>>
    %dma_start3A_80 = tpu.memref_squeeze %dma_start3A_79 : memref<1x128xi32, #tpu.memory_space<vmem>> -> memref<128xi32, #tpu.memory_space<vmem>>
    %dma_start3A_81 = arith.constant 0 : i32
    %dma_start3A_82 = arith.constant 0 : i32
    %dma_start3A_83 = tpu.memref_slice %arg2[%dma_start3A_81, %dma_start3A_82] : memref<10000x128xf32, #tpu.memory_space<hbm>> -> memref<10000x128xf32, #tpu.memory_space<hbm>>
    %dma_start3A_84 = tpu.memref_slice %arg11[%dma_start3A_73] : memref<3x!tpu.dma_semaphore, #tpu.memory_space<semaphore_mem>> -> memref<1x!tpu.dma_semaphore, #tpu.memory_space<semaphore_mem>>
    %dma_start3A_85 = tpu.memref_squeeze %dma_start3A_84 : memref<1x!tpu.dma_semaphore, #tpu.memory_space<semaphore_mem>> -> memref<!tpu.dma_semaphore, #tpu.memory_space<semaphore_mem>>
    tpu.enqueue_indirect_dma source(%dma_start3A_83 : memref<10000x128xf32, #tpu.memory_space<hbm>>) target(%dma_start3A_77 : memref<128x128xf32, #tpu.memory_space<vmem>>) offsets(%dma_start3A_80 : memref<128xi32, #tpu.memory_space<vmem>>) semaphore(%dma_start3A_85 : memref<!tpu.dma_semaphore, #tpu.memory_space<semaphore_mem>>)
    %add3A_86 = arith.constant 128 : i32
    %add3A_87 = arith.addi %mul3A_28, %add3A_86 : i32
    %dma_start3A_88 = arith.constant 1 : i32
    %dma_start3A_89 = arith.constant 0 : i32
    %dma_start3A_90 = tpu.memref_slice %arg5[%dma_start3A_88, %dma_start3A_89] : memref<3x128xi32, #tpu.memory_space<vmem>> -> memref<1x128xi32, #tpu.memory_space<vmem>>
    %dma_start3A_91 = tpu.memref_squeeze %dma_start3A_90 : memref<1x128xi32, #tpu.memory_space<vmem>> -> memref<128xi32, #tpu.memory_space<vmem>>
    %dma_start3A_92 = tpu.memref_slice %arg3[%add3A_87] : memref<640000xi32, #tpu.memory_space<hbm>> -> memref<128xi32, #tpu.memory_space<hbm>>
    %dma_start3A_93 = arith.constant 0 : i32
    %dma_start3A_94 = tpu.memref_slice %arg5[%dma_start3A_88, %dma_start3A_93] : memref<3x128xi32, #tpu.memory_space<vmem>> -> memref<1x128xi32, #tpu.memory_space<vmem>>
    %dma_start3A_95 = tpu.memref_squeeze %dma_start3A_94 : memref<1x128xi32, #tpu.memory_space<vmem>> -> memref<128xi32, #tpu.memory_space<vmem>>
    %dma_start3A_96 = tpu.memref_slice %arg3[%add3A_87] : memref<640000xi32, #tpu.memory_space<hbm>> -> memref<128xi32, #tpu.memory_space<hbm>>
    tpu.enqueue_dma source(%dma_start3A_96 : memref<128xi32, #tpu.memory_space<hbm>>) target(%dma_start3A_95 : memref<128xi32, #tpu.memory_space<vmem>>) target_semaphore(%arg9 : memref<!tpu.dma_semaphore, #tpu.memory_space<semaphore_mem>>)
    %add3A_97 = arith.constant 320000 : i32
    %add3A_98 = arith.addi %add3A_97, %add3A_87 : i32
    %dma_start3A_99 = arith.constant 1 : i32
    %dma_start3A_100 = arith.constant 0 : i32
    %dma_start3A_101 = tpu.memref_slice %arg6[%dma_start3A_99, %dma_start3A_100] : memref<3x128xi32, #tpu.memory_space<vmem>> -> memref<1x128xi32, #tpu.memory_space<vmem>>
    %dma_start3A_102 = tpu.memref_squeeze %dma_start3A_101 : memref<1x128xi32, #tpu.memory_space<vmem>> -> memref<128xi32, #tpu.memory_space<vmem>>
    %dma_start3A_103 = tpu.memref_slice %arg3[%add3A_98] : memref<640000xi32, #tpu.memory_space<hbm>> -> memref<128xi32, #tpu.memory_space<hbm>>
    %dma_start3A_104 = arith.constant 0 : i32
    %dma_start3A_105 = tpu.memref_slice %arg6[%dma_start3A_99, %dma_start3A_104] : memref<3x128xi32, #tpu.memory_space<vmem>> -> memref<1x128xi32, #tpu.memory_space<vmem>>
    %dma_start3A_106 = tpu.memref_squeeze %dma_start3A_105 : memref<1x128xi32, #tpu.memory_space<vmem>> -> memref<128xi32, #tpu.memory_space<vmem>>
    %dma_start3A_107 = tpu.memref_slice %arg3[%add3A_98] : memref<640000xi32, #tpu.memory_space<hbm>> -> memref<128xi32, #tpu.memory_space<hbm>>
    tpu.enqueue_dma source(%dma_start3A_107 : memref<128xi32, #tpu.memory_space<hbm>>) target(%dma_start3A_106 : memref<128xi32, #tpu.memory_space<vmem>>) target_semaphore(%arg10 : memref<!tpu.dma_semaphore, #tpu.memory_space<semaphore_mem>>)
    %add3A_108 = arith.constant 128 : i32
    %add3A_109 = arith.addi %mul3A_28, %add3A_108 : i32
    %dma_wait3A_110 = arith.constant 1 : i32
    %dma_wait3A_111 = arith.constant 0 : i32
    %dma_wait3A_112 = tpu.memref_slice %arg5[%dma_wait3A_110, %dma_wait3A_111] : memref<3x128xi32, #tpu.memory_space<vmem>> -> memref<1x128xi32, #tpu.memory_space<vmem>>
    %dma_wait3A_113 = tpu.memref_squeeze %dma_wait3A_112 : memref<1x128xi32, #tpu.memory_space<vmem>> -> memref<128xi32, #tpu.memory_space<vmem>>
    %dma_wait3A_114 = tpu.memref_slice %arg3[%add3A_109] : memref<640000xi32, #tpu.memory_space<hbm>> -> memref<128xi32, #tpu.memory_space<hbm>>
    %dma_wait3A_115 = arith.constant 0 : i32
    %dma_wait3A_116 = tpu.memref_slice %arg5[%dma_wait3A_110, %dma_wait3A_115] : memref<3x128xi32, #tpu.memory_space<vmem>> -> memref<1x128xi32, #tpu.memory_space<vmem>>
    %dma_wait3A_117 = tpu.memref_squeeze %dma_wait3A_116 : memref<1x128xi32, #tpu.memory_space<vmem>> -> memref<128xi32, #tpu.memory_space<vmem>>
    %dma_wait3A_118 = tpu.memref_slice %arg3[%add3A_109] : memref<640000xi32, #tpu.memory_space<hbm>> -> memref<128xi32, #tpu.memory_space<hbm>>
    tpu.wait_dma2 semaphore(%arg9 : memref<!tpu.dma_semaphore, #tpu.memory_space<semaphore_mem>>) src(%dma_wait3A_118 : memref<128xi32, #tpu.memory_space<hbm>>) dst(%dma_wait3A_117 : memref<128xi32, #tpu.memory_space<vmem>>)
    %add3A_119 = arith.constant 320000 : i32
    %add3A_120 = arith.addi %add3A_119, %add3A_109 : i32
    %dma_wait3A_121 = arith.constant 1 : i32
    %dma_wait3A_122 = arith.constant 0 : i32
    %dma_wait3A_123 = tpu.memref_slice %arg6[%dma_wait3A_121, %dma_wait3A_122] : memref<3x128xi32, #tpu.memory_space<vmem>> -> memref<1x128xi32, #tpu.memory_space<vmem>>
    %dma_wait3A_124 = tpu.memref_squeeze %dma_wait3A_123 : memref<1x128xi32, #tpu.memory_space<vmem>> -> memref<128xi32, #tpu.memory_space<vmem>>
    %dma_wait3A_125 = tpu.memref_slice %arg3[%add3A_120] : memref<640000xi32, #tpu.memory_space<hbm>> -> memref<128xi32, #tpu.memory_space<hbm>>
    %dma_wait3A_126 = arith.constant 0 : i32
    %dma_wait3A_127 = tpu.memref_slice %arg6[%dma_wait3A_121, %dma_wait3A_126] : memref<3x128xi32, #tpu.memory_space<vmem>> -> memref<1x128xi32, #tpu.memory_space<vmem>>
    %dma_wait3A_128 = tpu.memref_squeeze %dma_wait3A_127 : memref<1x128xi32, #tpu.memory_space<vmem>> -> memref<128xi32, #tpu.memory_space<vmem>>
    %dma_wait3A_129 = tpu.memref_slice %arg3[%add3A_120] : memref<640000xi32, #tpu.memory_space<hbm>> -> memref<128xi32, #tpu.memory_space<hbm>>
    tpu.wait_dma2 semaphore(%arg10 : memref<!tpu.dma_semaphore, #tpu.memory_space<semaphore_mem>>) src(%dma_wait3A_129 : memref<128xi32, #tpu.memory_space<hbm>>) dst(%dma_wait3A_128 : memref<128xi32, #tpu.memory_space<vmem>>)
    %dma_start3A_130 = arith.constant 1 : i32
    %dma_start3A_131 = arith.constant 1 : i32
    %dma_start3A_132 = arith.constant 1 : i32
    %dma_start3A_133 = arith.constant 0 : i32
    %dma_start3A_134 = arith.constant 0 : i32
    %dma_start3A_135 = tpu.memref_slice %arg7[%dma_start3A_131, %dma_start3A_133, %dma_start3A_134] : memref<3x128x128xf32, #tpu.memory_space<vmem>> -> memref<1x128x128xf32, #tpu.memory_space<vmem>>
    %dma_start3A_136 = tpu.memref_squeeze %dma_start3A_135 : memref<1x128x128xf32, #tpu.memory_space<vmem>> -> memref<128x128xf32, #tpu.memory_space<vmem>>
    %dma_start3A_137 = arith.constant 0 : i32
    %dma_start3A_138 = tpu.memref_slice %arg5[%dma_start3A_130, %dma_start3A_137] : memref<3x128xi32, #tpu.memory_space<vmem>> -> memref<1x128xi32, #tpu.memory_space<vmem>>
    %dma_start3A_139 = tpu.memref_squeeze %dma_start3A_138 : memref<1x128xi32, #tpu.memory_space<vmem>> -> memref<128xi32, #tpu.memory_space<vmem>>
    %dma_start3A_140 = arith.constant 0 : i32
    %dma_start3A_141 = arith.constant 0 : i32
    %dma_start3A_142 = tpu.memref_slice %arg2[%dma_start3A_140, %dma_start3A_141] : memref<10000x128xf32, #tpu.memory_space<hbm>> -> memref<10000x128xf32, #tpu.memory_space<hbm>>
    %dma_start3A_143 = tpu.memref_slice %arg11[%dma_start3A_132] : memref<3x!tpu.dma_semaphore, #tpu.memory_space<semaphore_mem>> -> memref<1x!tpu.dma_semaphore, #tpu.memory_space<semaphore_mem>>
    %dma_start3A_144 = tpu.memref_squeeze %dma_start3A_143 : memref<1x!tpu.dma_semaphore, #tpu.memory_space<semaphore_mem>> -> memref<!tpu.dma_semaphore, #tpu.memory_space<semaphore_mem>>
    tpu.enqueue_indirect_dma source(%dma_start3A_142 : memref<10000x128xf32, #tpu.memory_space<hbm>>) target(%dma_start3A_136 : memref<128x128xf32, #tpu.memory_space<vmem>>) offsets(%dma_start3A_139 : memref<128xi32, #tpu.memory_space<vmem>>) semaphore(%dma_start3A_144 : memref<!tpu.dma_semaphore, #tpu.memory_space<semaphore_mem>>)
    %add3A_145 = arith.constant 256 : i32
    %add3A_146 = arith.addi %mul3A_28, %add3A_145 : i32
    %dma_start3A_147 = arith.constant 2 : i32
    %dma_start3A_148 = arith.constant 0 : i32
    %dma_start3A_149 = tpu.memref_slice %arg5[%dma_start3A_147, %dma_start3A_148] : memref<3x128xi32, #tpu.memory_space<vmem>> -> memref<1x128xi32, #tpu.memory_space<vmem>>
    %dma_start3A_150 = tpu.memref_squeeze %dma_start3A_149 : memref<1x128xi32, #tpu.memory_space<vmem>> -> memref<128xi32, #tpu.memory_space<vmem>>
    %dma_start3A_151 = tpu.memref_slice %arg3[%add3A_146] : memref<640000xi32, #tpu.memory_space<hbm>> -> memref<128xi32, #tpu.memory_space<hbm>>
    %dma_start3A_152 = arith.constant 0 : i32
    %dma_start3A_153 = tpu.memref_slice %arg5[%dma_start3A_147, %dma_start3A_152] : memref<3x128xi32, #tpu.memory_space<vmem>> -> memref<1x128xi32, #tpu.memory_space<vmem>>
    %dma_start3A_154 = tpu.memref_squeeze %dma_start3A_153 : memref<1x128xi32, #tpu.memory_space<vmem>> -> memref<128xi32, #tpu.memory_space<vmem>>
    %dma_start3A_155 = tpu.memref_slice %arg3[%add3A_146] : memref<640000xi32, #tpu.memory_space<hbm>> -> memref<128xi32, #tpu.memory_space<hbm>>
    tpu.enqueue_dma source(%dma_start3A_155 : memref<128xi32, #tpu.memory_space<hbm>>) target(%dma_start3A_154 : memref<128xi32, #tpu.memory_space<vmem>>) target_semaphore(%arg9 : memref<!tpu.dma_semaphore, #tpu.memory_space<semaphore_mem>>)
    %add3A_156 = arith.constant 320000 : i32
    %add3A_157 = arith.addi %add3A_156, %add3A_146 : i32
    %dma_start3A_158 = arith.constant 2 : i32
    %dma_start3A_159 = arith.constant 0 : i32
    %dma_start3A_160 = tpu.memref_slice %arg6[%dma_start3A_158, %dma_start3A_159] : memref<3x128xi32, #tpu.memory_space<vmem>> -> memref<1x128xi32, #tpu.memory_space<vmem>>
    %dma_start3A_161 = tpu.memref_squeeze %dma_start3A_160 : memref<1x128xi32, #tpu.memory_space<vmem>> -> memref<128xi32, #tpu.memory_space<vmem>>
    %dma_start3A_162 = tpu.memref_slice %arg3[%add3A_157] : memref<640000xi32, #tpu.memory_space<hbm>> -> memref<128xi32, #tpu.memory_space<hbm>>
    %dma_start3A_163 = arith.constant 0 : i32
    %dma_start3A_164 = tpu.memref_slice %arg6[%dma_start3A_158, %dma_start3A_163] : memref<3x128xi32, #tpu.memory_space<vmem>> -> memref<1x128xi32, #tpu.memory_space<vmem>>
    %dma_start3A_165 = tpu.memref_squeeze %dma_start3A_164 : memref<1x128xi32, #tpu.memory_space<vmem>> -> memref<128xi32, #tpu.memory_space<vmem>>
    %dma_start3A_166 = tpu.memref_slice %arg3[%add3A_157] : memref<640000xi32, #tpu.memory_space<hbm>> -> memref<128xi32, #tpu.memory_space<hbm>>
    tpu.enqueue_dma source(%dma_start3A_166 : memref<128xi32, #tpu.memory_space<hbm>>) target(%dma_start3A_165 : memref<128xi32, #tpu.memory_space<vmem>>) target_semaphore(%arg10 : memref<!tpu.dma_semaphore, #tpu.memory_space<semaphore_mem>>)
    %sub3A = arith.constant 0 : i32
    %sub3A_167 = arith.subi %select_n3A_26, %sub3A : i32
    %sub3A_168 = arith.constant 1 : i32
    %sub3A_169 = arith.constant 1 : i32
    %sub3A_170 = arith.subi %sub3A_168, %sub3A_169 : i32
    %add3A_171 = arith.addi %sub3A_167, %sub3A_170 : i32
    %div3A = arith.constant 1 : i32
    %div3A_172 = arith.divsi %add3A_171, %div3A : i32
    %while3A = arith.constant 1 : i32
    %while3A_173 = arith.constant 0 : i32
    %while3A_174 = arith.constant 0 : i32
    %while3A_175 = arith.subi %div3A_172, %while3A_174 : i32
    %while3A_176 = arith.addi %while3A_174, %while3A_175 : i32
    %while3A_177 = arith.constant 1 : i32
    %while3A_178 = arith.divsi %while3A_175, %while3A_177 : i32
    %while3A_179 = arith.muli %while3A_178, %while3A_177 : i32
    %while3A_180 = arith.addi %while3A_174, %while3A_179 : i32
    %while3A_181 = arith.constant 1 : i32
    scf.for %while3A_186 = %while3A_174 to %while3A_180 step %while3A_181  : i32 {
      %mul3A_187 = arith.muli %while3A_186, %while3A : i32
      %add3A_188 = arith.addi %while3A_173, %mul3A_187 : i32
      %rem3A = arith.constant 3 : i32
      %rem3A_189 = arith.remsi %add3A_188, %rem3A : i32
      %dma_wait3A_190 = arith.constant 0 : i32
      %dma_wait3A_191 = arith.constant 0 : i32
      %dma_wait3A_192 = tpu.memref_slice %arg7[%rem3A_189, %dma_wait3A_190, %dma_wait3A_191] : memref<3x128x128xf32, #tpu.memory_space<vmem>> -> memref<1x128x128xf32, #tpu.memory_space<vmem>>
      %dma_wait3A_193 = tpu.memref_squeeze %dma_wait3A_192 : memref<1x128x128xf32, #tpu.memory_space<vmem>> -> memref<128x128xf32, #tpu.memory_space<vmem>>
      %dma_wait3A_194 = arith.constant 0 : i32
      %dma_wait3A_195 = tpu.memref_slice %arg5[%rem3A_189, %dma_wait3A_194] : memref<3x128xi32, #tpu.memory_space<vmem>> -> memref<1x128xi32, #tpu.memory_space<vmem>>
      %dma_wait3A_196 = tpu.memref_squeeze %dma_wait3A_195 : memref<1x128xi32, #tpu.memory_space<vmem>> -> memref<128xi32, #tpu.memory_space<vmem>>
      %dma_wait3A_197 = arith.constant 0 : i32
      %dma_wait3A_198 = arith.constant 0 : i32
      %dma_wait3A_199 = tpu.memref_slice %arg2[%dma_wait3A_197, %dma_wait3A_198] : memref<10000x128xf32, #tpu.memory_space<hbm>> -> memref<10000x128xf32, #tpu.memory_space<hbm>>
      %dma_wait3A_200 = tpu.memref_slice %arg11[%rem3A_189] : memref<3x!tpu.dma_semaphore, #tpu.memory_space<semaphore_mem>> -> memref<1x!tpu.dma_semaphore, #tpu.memory_space<semaphore_mem>>
      %dma_wait3A_201 = tpu.memref_squeeze %dma_wait3A_200 : memref<1x!tpu.dma_semaphore, #tpu.memory_space<semaphore_mem>> -> memref<!tpu.dma_semaphore, #tpu.memory_space<semaphore_mem>>
      tpu.wait_indirect_dma semaphore(%dma_wait3A_201 : memref<!tpu.dma_semaphore, #tpu.memory_space<semaphore_mem>>) src(%dma_wait3A_199 : memref<10000x128xf32, #tpu.memory_space<hbm>>) dst(%dma_wait3A_193 : memref<128x128xf32, #tpu.memory_space<vmem>>)
      %add3A_202 = arith.constant 2 : i32
      %add3A_203 = arith.addi %add3A_188, %add3A_202 : i32
      %lt3A_204 = arith.cmpi slt, %add3A_203, %select_n3A_26 : i32
      %convert_element_type3A = arith.extui %lt3A_204 : i1 to i32
      %cond3A = arith.constant 0 : i32
      %cond3A_205 = arith.cmpi ne, %convert_element_type3A, %cond3A : i32
      scf.if %cond3A_205 {
        %add3A_212 = arith.constant 2 : i32
        %add3A_213 = arith.addi %add3A_188, %add3A_212 : i32
        %rem3A_214 = arith.constant 3 : i32
        %rem3A_215 = arith.remsi %add3A_213, %rem3A_214 : i32
        %add3A_216 = arith.constant 2 : i32
        %add3A_217 = arith.addi %add3A_188, %add3A_216 : i32
        %mul3A_218 = arith.constant 128 : i32
        %mul3A_219 = arith.muli %add3A_217, %mul3A_218 : i32
        %add3A_220 = arith.addi %mul3A_28, %mul3A_219 : i32
        %dma_wait3A_221 = arith.constant 0 : i32
        %dma_wait3A_222 = tpu.memref_slice %arg5[%rem3A_215, %dma_wait3A_221] : memref<3x128xi32, #tpu.memory_space<vmem>> -> memref<1x128xi32, #tpu.memory_space<vmem>>
        %dma_wait3A_223 = tpu.memref_squeeze %dma_wait3A_222 : memref<1x128xi32, #tpu.memory_space<vmem>> -> memref<128xi32, #tpu.memory_space<vmem>>
        %dma_wait3A_224 = tpu.memref_slice %arg3[%add3A_220] : memref<640000xi32, #tpu.memory_space<hbm>> -> memref<128xi32, #tpu.memory_space<hbm>>
        %dma_wait3A_225 = arith.constant 0 : i32
        %dma_wait3A_226 = tpu.memref_slice %arg5[%rem3A_215, %dma_wait3A_225] : memref<3x128xi32, #tpu.memory_space<vmem>> -> memref<1x128xi32, #tpu.memory_space<vmem>>
        %dma_wait3A_227 = tpu.memref_squeeze %dma_wait3A_226 : memref<1x128xi32, #tpu.memory_space<vmem>> -> memref<128xi32, #tpu.memory_space<vmem>>
        %dma_wait3A_228 = tpu.memref_slice %arg3[%add3A_220] : memref<640000xi32, #tpu.memory_space<hbm>> -> memref<128xi32, #tpu.memory_space<hbm>>
        tpu.wait_dma2 semaphore(%arg9 : memref<!tpu.dma_semaphore, #tpu.memory_space<semaphore_mem>>) src(%dma_wait3A_228 : memref<128xi32, #tpu.memory_space<hbm>>) dst(%dma_wait3A_227 : memref<128xi32, #tpu.memory_space<vmem>>)
        %add3A_229 = arith.constant 320000 : i32
        %add3A_230 = arith.addi %add3A_229, %add3A_220 : i32
        %dma_wait3A_231 = arith.constant 0 : i32
        %dma_wait3A_232 = tpu.memref_slice %arg6[%rem3A_215, %dma_wait3A_231] : memref<3x128xi32, #tpu.memory_space<vmem>> -> memref<1x128xi32, #tpu.memory_space<vmem>>
        %dma_wait3A_233 = tpu.memref_squeeze %dma_wait3A_232 : memref<1x128xi32, #tpu.memory_space<vmem>> -> memref<128xi32, #tpu.memory_space<vmem>>
        %dma_wait3A_234 = tpu.memref_slice %arg3[%add3A_230] : memref<640000xi32, #tpu.memory_space<hbm>> -> memref<128xi32, #tpu.memory_space<hbm>>
        %dma_wait3A_235 = arith.constant 0 : i32
        %dma_wait3A_236 = tpu.memref_slice %arg6[%rem3A_215, %dma_wait3A_235] : memref<3x128xi32, #tpu.memory_space<vmem>> -> memref<1x128xi32, #tpu.memory_space<vmem>>
        %dma_wait3A_237 = tpu.memref_squeeze %dma_wait3A_236 : memref<1x128xi32, #tpu.memory_space<vmem>> -> memref<128xi32, #tpu.memory_space<vmem>>
        %dma_wait3A_238 = tpu.memref_slice %arg3[%add3A_230] : memref<640000xi32, #tpu.memory_space<hbm>> -> memref<128xi32, #tpu.memory_space<hbm>>
        tpu.wait_dma2 semaphore(%arg10 : memref<!tpu.dma_semaphore, #tpu.memory_space<semaphore_mem>>) src(%dma_wait3A_238 : memref<128xi32, #tpu.memory_space<hbm>>) dst(%dma_wait3A_237 : memref<128xi32, #tpu.memory_space<vmem>>)
        %dma_start3A_239 = arith.constant 0 : i32
        %dma_start3A_240 = arith.constant 0 : i32
        %dma_start3A_241 = tpu.memref_slice %arg7[%rem3A_215, %dma_start3A_239, %dma_start3A_240] : memref<3x128x128xf32, #tpu.memory_space<vmem>> -> memref<1x128x128xf32, #tpu.memory_space<vmem>>
        %dma_start3A_242 = tpu.memref_squeeze %dma_start3A_241 : memref<1x128x128xf32, #tpu.memory_space<vmem>> -> memref<128x128xf32, #tpu.memory_space<vmem>>
        %dma_start3A_243 = arith.constant 0 : i32
        %dma_start3A_244 = tpu.memref_slice %arg5[%rem3A_215, %dma_start3A_243] : memref<3x128xi32, #tpu.memory_space<vmem>> -> memref<1x128xi32, #tpu.memory_space<vmem>>
        %dma_start3A_245 = tpu.memref_squeeze %dma_start3A_244 : memref<1x128xi32, #tpu.memory_space<vmem>> -> memref<128xi32, #tpu.memory_space<vmem>>
        %dma_start3A_246 = arith.constant 0 : i32
        %dma_start3A_247 = arith.constant 0 : i32
        %dma_start3A_248 = tpu.memref_slice %arg2[%dma_start3A_246, %dma_start3A_247] : memref<10000x128xf32, #tpu.memory_space<hbm>> -> memref<10000x128xf32, #tpu.memory_space<hbm>>
        %dma_start3A_249 = tpu.memref_slice %arg11[%rem3A_215] : memref<3x!tpu.dma_semaphore, #tpu.memory_space<semaphore_mem>> -> memref<1x!tpu.dma_semaphore, #tpu.memory_space<semaphore_mem>>
        %dma_start3A_250 = tpu.memref_squeeze %dma_start3A_249 : memref<1x!tpu.dma_semaphore, #tpu.memory_space<semaphore_mem>> -> memref<!tpu.dma_semaphore, #tpu.memory_space<semaphore_mem>>
        tpu.enqueue_indirect_dma source(%dma_start3A_248 : memref<10000x128xf32, #tpu.memory_space<hbm>>) target(%dma_start3A_242 : memref<128x128xf32, #tpu.memory_space<vmem>>) offsets(%dma_start3A_245 : memref<128xi32, #tpu.memory_space<vmem>>) semaphore(%dma_start3A_250 : memref<!tpu.dma_semaphore, #tpu.memory_space<semaphore_mem>>)
      } else {
      }
      "tpu.region"() ({
        %run_scoped3A_212 = tpu.sem_alloc : memref<!tpu.dma_semaphore, #tpu.memory_space<semaphore_mem>>
        %dma_start3A_213 = arith.constant 0 : i32
        %dma_start3A_214 = arith.constant 0 : i32
        %dma_start3A_215 = tpu.memref_slice %arg7[%rem3A_189, %dma_start3A_213, %dma_start3A_214] : memref<3x128x128xf32, #tpu.memory_space<vmem>> -> memref<1x128x128xf32, #tpu.memory_space<vmem>>
        %dma_start3A_216 = tpu.memref_squeeze %dma_start3A_215 : memref<1x128x128xf32, #tpu.memory_space<vmem>> -> memref<128x128xf32, #tpu.memory_space<vmem>>
        %dma_start3A_217 = arith.constant 0 : i32
        %dma_start3A_218 = tpu.memref_slice %arg6[%rem3A_189, %dma_start3A_217] : memref<3x128xi32, #tpu.memory_space<vmem>> -> memref<1x128xi32, #tpu.memory_space<vmem>>
        %dma_start3A_219 = tpu.memref_squeeze %dma_start3A_218 : memref<1x128xi32, #tpu.memory_space<vmem>> -> memref<128xi32, #tpu.memory_space<vmem>>
        %dma_start3A_220 = arith.constant 0 : i32
        %dma_start3A_221 = arith.constant 0 : i32
        %dma_start3A_222 = tpu.memref_slice %arg8[%dma_start3A_220, %dma_start3A_221] : memref<10112x128xf32, #tpu.memory_space<vmem_shared>> -> memref<10112x128xf32, #tpu.memory_space<vmem_shared>>
        tpu.enqueue_indirect_dma source(%dma_start3A_216 : memref<128x128xf32, #tpu.memory_space<vmem>>) target(%dma_start3A_222 : memref<10112x128xf32, #tpu.memory_space<vmem_shared>>) offsets(%dma_start3A_219 : memref<128xi32, #tpu.memory_space<vmem>>) semaphore(%run_scoped3A_212 : memref<!tpu.dma_semaphore, #tpu.memory_space<semaphore_mem>>) {add = true}
        %dma_wait3A_223 = arith.constant 0 : i32
        %dma_wait3A_224 = arith.constant 0 : i32
        %dma_wait3A_225 = tpu.memref_slice %arg7[%rem3A_189, %dma_wait3A_223, %dma_wait3A_224] : memref<3x128x128xf32, #tpu.memory_space<vmem>> -> memref<1x128x128xf32, #tpu.memory_space<vmem>>
        %dma_wait3A_226 = tpu.memref_squeeze %dma_wait3A_225 : memref<1x128x128xf32, #tpu.memory_space<vmem>> -> memref<128x128xf32, #tpu.memory_space<vmem>>
        %dma_wait3A_227 = arith.constant 0 : i32
        %dma_wait3A_228 = tpu.memref_slice %arg6[%rem3A_189, %dma_wait3A_227] : memref<3x128xi32, #tpu.memory_space<vmem>> -> memref<1x128xi32, #tpu.memory_space<vmem>>
        %dma_wait3A_229 = tpu.memref_squeeze %dma_wait3A_228 : memref<1x128xi32, #tpu.memory_space<vmem>> -> memref<128xi32, #tpu.memory_space<vmem>>
        %dma_wait3A_230 = arith.constant 0 : i32
        %dma_wait3A_231 = arith.constant 0 : i32
        %dma_wait3A_232 = tpu.memref_slice %arg8[%dma_wait3A_230, %dma_wait3A_231] : memref<10112x128xf32, #tpu.memory_space<vmem_shared>> -> memref<10112x128xf32, #tpu.memory_space<vmem_shared>>
        tpu.wait_indirect_dma semaphore(%run_scoped3A_212 : memref<!tpu.dma_semaphore, #tpu.memory_space<semaphore_mem>>) src(%dma_wait3A_226 : memref<128x128xf32, #tpu.memory_space<vmem>>) dst(%dma_wait3A_232 : memref<10112x128xf32, #tpu.memory_space<vmem_shared>>)
        tpu.yield
      }) : () -> ()
      %add3A_206 = arith.constant 3 : i32
      %add3A_207 = arith.addi %add3A_188, %add3A_206 : i32
      %lt3A_208 = arith.cmpi slt, %add3A_207, %select_n3A_26 : i32
      %convert_element_type3A_209 = arith.extui %lt3A_208 : i1 to i32
      %cond3A_210 = arith.constant 0 : i32
      %cond3A_211 = arith.cmpi ne, %convert_element_type3A_209, %cond3A_210 : i32
      scf.if %cond3A_211 {
        %add3A_212 = arith.constant 3 : i32
        %add3A_213 = arith.addi %add3A_188, %add3A_212 : i32
        %mul3A_214 = arith.constant 128 : i32
        %mul3A_215 = arith.muli %add3A_213, %mul3A_214 : i32
        %add3A_216 = arith.addi %mul3A_28, %mul3A_215 : i32
        %dma_start3A_217 = arith.constant 0 : i32
        %dma_start3A_218 = tpu.memref_slice %arg5[%rem3A_189, %dma_start3A_217] : memref<3x128xi32, #tpu.memory_space<vmem>> -> memref<1x128xi32, #tpu.memory_space<vmem>>
        %dma_start3A_219 = tpu.memref_squeeze %dma_start3A_218 : memref<1x128xi32, #tpu.memory_space<vmem>> -> memref<128xi32, #tpu.memory_space<vmem>>
        %dma_start3A_220 = tpu.memref_slice %arg3[%add3A_216] : memref<640000xi32, #tpu.memory_space<hbm>> -> memref<128xi32, #tpu.memory_space<hbm>>
        %dma_start3A_221 = arith.constant 0 : i32
        %dma_start3A_222 = tpu.memref_slice %arg5[%rem3A_189, %dma_start3A_221] : memref<3x128xi32, #tpu.memory_space<vmem>> -> memref<1x128xi32, #tpu.memory_space<vmem>>
        %dma_start3A_223 = tpu.memref_squeeze %dma_start3A_222 : memref<1x128xi32, #tpu.memory_space<vmem>> -> memref<128xi32, #tpu.memory_space<vmem>>
        %dma_start3A_224 = tpu.memref_slice %arg3[%add3A_216] : memref<640000xi32, #tpu.memory_space<hbm>> -> memref<128xi32, #tpu.memory_space<hbm>>
        tpu.enqueue_dma source(%dma_start3A_224 : memref<128xi32, #tpu.memory_space<hbm>>) target(%dma_start3A_223 : memref<128xi32, #tpu.memory_space<vmem>>) target_semaphore(%arg9 : memref<!tpu.dma_semaphore, #tpu.memory_space<semaphore_mem>>)
        %add3A_225 = arith.constant 320000 : i32
        %add3A_226 = arith.addi %add3A_225, %add3A_216 : i32
        %dma_start3A_227 = arith.constant 0 : i32
        %dma_start3A_228 = tpu.memref_slice %arg6[%rem3A_189, %dma_start3A_227] : memref<3x128xi32, #tpu.memory_space<vmem>> -> memref<1x128xi32, #tpu.memory_space<vmem>>
        %dma_start3A_229 = tpu.memref_squeeze %dma_start3A_228 : memref<1x128xi32, #tpu.memory_space<vmem>> -> memref<128xi32, #tpu.memory_space<vmem>>
        %dma_start3A_230 = tpu.memref_slice %arg3[%add3A_226] : memref<640000xi32, #tpu.memory_space<hbm>> -> memref<128xi32, #tpu.memory_space<hbm>>
        %dma_start3A_231 = arith.constant 0 : i32
        %dma_start3A_232 = tpu.memref_slice %arg6[%rem3A_189, %dma_start3A_231] : memref<3x128xi32, #tpu.memory_space<vmem>> -> memref<1x128xi32, #tpu.memory_space<vmem>>
        %dma_start3A_233 = tpu.memref_squeeze %dma_start3A_232 : memref<1x128xi32, #tpu.memory_space<vmem>> -> memref<128xi32, #tpu.memory_space<vmem>>
        %dma_start3A_234 = tpu.memref_slice %arg3[%add3A_226] : memref<640000xi32, #tpu.memory_space<hbm>> -> memref<128xi32, #tpu.memory_space<hbm>>
        tpu.enqueue_dma source(%dma_start3A_234 : memref<128xi32, #tpu.memory_space<hbm>>) target(%dma_start3A_233 : memref<128xi32, #tpu.memory_space<vmem>>) target_semaphore(%arg10 : memref<!tpu.dma_semaphore, #tpu.memory_space<semaphore_mem>>)
      } else {
      }
    }
    %while3A_182 = arith.constant 1 : i32
    scf.for %while3A_186 = %while3A_180 to %while3A_176 step %while3A_182  : i32 {
      %mul3A_187 = arith.muli %while3A_186, %while3A : i32
      %add3A_188 = arith.addi %while3A_173, %mul3A_187 : i32
      %rem3A = arith.constant 3 : i32
      %rem3A_189 = arith.remsi %add3A_188, %rem3A : i32
      %dma_wait3A_190 = arith.constant 0 : i32
      %dma_wait3A_191 = arith.constant 0 : i32
      %dma_wait3A_192 = tpu.memref_slice %arg7[%rem3A_189, %dma_wait3A_190, %dma_wait3A_191] : memref<3x128x128xf32, #tpu.memory_space<vmem>> -> memref<1x128x128xf32, #tpu.memory_space<vmem>>
      %dma_wait3A_193 = tpu.memref_squeeze %dma_wait3A_192 : memref<1x128x128xf32, #tpu.memory_space<vmem>> -> memref<128x128xf32, #tpu.memory_space<vmem>>
      %dma_wait3A_194 = arith.constant 0 : i32
      %dma_wait3A_195 = tpu.memref_slice %arg5[%rem3A_189, %dma_wait3A_194] : memref<3x128xi32, #tpu.memory_space<vmem>> -> memref<1x128xi32, #tpu.memory_space<vmem>>
      %dma_wait3A_196 = tpu.memref_squeeze %dma_wait3A_195 : memref<1x128xi32, #tpu.memory_space<vmem>> -> memref<128xi32, #tpu.memory_space<vmem>>
      %dma_wait3A_197 = arith.constant 0 : i32
      %dma_wait3A_198 = arith.constant 0 : i32
      %dma_wait3A_199 = tpu.memref_slice %arg2[%dma_wait3A_197, %dma_wait3A_198] : memref<10000x128xf32, #tpu.memory_space<hbm>> -> memref<10000x128xf32, #tpu.memory_space<hbm>>
      %dma_wait3A_200 = tpu.memref_slice %arg11[%rem3A_189] : memref<3x!tpu.dma_semaphore, #tpu.memory_space<semaphore_mem>> -> memref<1x!tpu.dma_semaphore, #tpu.memory_space<semaphore_mem>>
      %dma_wait3A_201 = tpu.memref_squeeze %dma_wait3A_200 : memref<1x!tpu.dma_semaphore, #tpu.memory_space<semaphore_mem>> -> memref<!tpu.dma_semaphore, #tpu.memory_space<semaphore_mem>>
      tpu.wait_indirect_dma semaphore(%dma_wait3A_201 : memref<!tpu.dma_semaphore, #tpu.memory_space<semaphore_mem>>) src(%dma_wait3A_199 : memref<10000x128xf32, #tpu.memory_space<hbm>>) dst(%dma_wait3A_193 : memref<128x128xf32, #tpu.memory_space<vmem>>)
      %add3A_202 = arith.constant 2 : i32
      %add3A_203 = arith.addi %add3A_188, %add3A_202 : i32
      %lt3A_204 = arith.cmpi slt, %add3A_203, %select_n3A_26 : i32
      %convert_element_type3A = arith.extui %lt3A_204 : i1 to i32
      %cond3A = arith.constant 0 : i32
      %cond3A_205 = arith.cmpi ne, %convert_element_type3A, %cond3A : i32
      scf.if %cond3A_205 {
        %add3A_212 = arith.constant 2 : i32
        %add3A_213 = arith.addi %add3A_188, %add3A_212 : i32
        %rem3A_214 = arith.constant 3 : i32
        %rem3A_215 = arith.remsi %add3A_213, %rem3A_214 : i32
        %add3A_216 = arith.constant 2 : i32
        %add3A_217 = arith.addi %add3A_188, %add3A_216 : i32
        %mul3A_218 = arith.constant 128 : i32
        %mul3A_219 = arith.muli %add3A_217, %mul3A_218 : i32
        %add3A_220 = arith.addi %mul3A_28, %mul3A_219 : i32
        %dma_wait3A_221 = arith.constant 0 : i32
        %dma_wait3A_222 = tpu.memref_slice %arg5[%rem3A_215, %dma_wait3A_221] : memref<3x128xi32, #tpu.memory_space<vmem>> -> memref<1x128xi32, #tpu.memory_space<vmem>>
        %dma_wait3A_223 = tpu.memref_squeeze %dma_wait3A_222 : memref<1x128xi32, #tpu.memory_space<vmem>> -> memref<128xi32, #tpu.memory_space<vmem>>
        %dma_wait3A_224 = tpu.memref_slice %arg3[%add3A_220] : memref<640000xi32, #tpu.memory_space<hbm>> -> memref<128xi32, #tpu.memory_space<hbm>>
        %dma_wait3A_225 = arith.constant 0 : i32
        %dma_wait3A_226 = tpu.memref_slice %arg5[%rem3A_215, %dma_wait3A_225] : memref<3x128xi32, #tpu.memory_space<vmem>> -> memref<1x128xi32, #tpu.memory_space<vmem>>
        %dma_wait3A_227 = tpu.memref_squeeze %dma_wait3A_226 : memref<1x128xi32, #tpu.memory_space<vmem>> -> memref<128xi32, #tpu.memory_space<vmem>>
        %dma_wait3A_228 = tpu.memref_slice %arg3[%add3A_220] : memref<640000xi32, #tpu.memory_space<hbm>> -> memref<128xi32, #tpu.memory_space<hbm>>
        tpu.wait_dma2 semaphore(%arg9 : memref<!tpu.dma_semaphore, #tpu.memory_space<semaphore_mem>>) src(%dma_wait3A_228 : memref<128xi32, #tpu.memory_space<hbm>>) dst(%dma_wait3A_227 : memref<128xi32, #tpu.memory_space<vmem>>)
        %add3A_229 = arith.constant 320000 : i32
        %add3A_230 = arith.addi %add3A_229, %add3A_220 : i32
        %dma_wait3A_231 = arith.constant 0 : i32
        %dma_wait3A_232 = tpu.memref_slice %arg6[%rem3A_215, %dma_wait3A_231] : memref<3x128xi32, #tpu.memory_space<vmem>> -> memref<1x128xi32, #tpu.memory_space<vmem>>
        %dma_wait3A_233 = tpu.memref_squeeze %dma_wait3A_232 : memref<1x128xi32, #tpu.memory_space<vmem>> -> memref<128xi32, #tpu.memory_space<vmem>>
        %dma_wait3A_234 = tpu.memref_slice %arg3[%add3A_230] : memref<640000xi32, #tpu.memory_space<hbm>> -> memref<128xi32, #tpu.memory_space<hbm>>
        %dma_wait3A_235 = arith.constant 0 : i32
        %dma_wait3A_236 = tpu.memref_slice %arg6[%rem3A_215, %dma_wait3A_235] : memref<3x128xi32, #tpu.memory_space<vmem>> -> memref<1x128xi32, #tpu.memory_space<vmem>>
        %dma_wait3A_237 = tpu.memref_squeeze %dma_wait3A_236 : memref<1x128xi32, #tpu.memory_space<vmem>> -> memref<128xi32, #tpu.memory_space<vmem>>
        %dma_wait3A_238 = tpu.memref_slice %arg3[%add3A_230] : memref<640000xi32, #tpu.memory_space<hbm>> -> memref<128xi32, #tpu.memory_space<hbm>>
        tpu.wait_dma2 semaphore(%arg10 : memref<!tpu.dma_semaphore, #tpu.memory_space<semaphore_mem>>) src(%dma_wait3A_238 : memref<128xi32, #tpu.memory_space<hbm>>) dst(%dma_wait3A_237 : memref<128xi32, #tpu.memory_space<vmem>>)
        %dma_start3A_239 = arith.constant 0 : i32
        %dma_start3A_240 = arith.constant 0 : i32
        %dma_start3A_241 = tpu.memref_slice %arg7[%rem3A_215, %dma_start3A_239, %dma_start3A_240] : memref<3x128x128xf32, #tpu.memory_space<vmem>> -> memref<1x128x128xf32, #tpu.memory_space<vmem>>
        %dma_start3A_242 = tpu.memref_squeeze %dma_start3A_241 : memref<1x128x128xf32, #tpu.memory_space<vmem>> -> memref<128x128xf32, #tpu.memory_space<vmem>>
        %dma_start3A_243 = arith.constant 0 : i32
        %dma_start3A_244 = tpu.memref_slice %arg5[%rem3A_215, %dma_start3A_243] : memref<3x128xi32, #tpu.memory_space<vmem>> -> memref<1x128xi32, #tpu.memory_space<vmem>>
        %dma_start3A_245 = tpu.memref_squeeze %dma_start3A_244 : memref<1x128xi32, #tpu.memory_space<vmem>> -> memref<128xi32, #tpu.memory_space<vmem>>
        %dma_start3A_246 = arith.constant 0 : i32
        %dma_start3A_247 = arith.constant 0 : i32
        %dma_start3A_248 = tpu.memref_slice %arg2[%dma_start3A_246, %dma_start3A_247] : memref<10000x128xf32, #tpu.memory_space<hbm>> -> memref<10000x128xf32, #tpu.memory_space<hbm>>
        %dma_start3A_249 = tpu.memref_slice %arg11[%rem3A_215] : memref<3x!tpu.dma_semaphore, #tpu.memory_space<semaphore_mem>> -> memref<1x!tpu.dma_semaphore, #tpu.memory_space<semaphore_mem>>
        %dma_start3A_250 = tpu.memref_squeeze %dma_start3A_249 : memref<1x!tpu.dma_semaphore, #tpu.memory_space<semaphore_mem>> -> memref<!tpu.dma_semaphore, #tpu.memory_space<semaphore_mem>>
        tpu.enqueue_indirect_dma source(%dma_start3A_248 : memref<10000x128xf32, #tpu.memory_space<hbm>>) target(%dma_start3A_242 : memref<128x128xf32, #tpu.memory_space<vmem>>) offsets(%dma_start3A_245 : memref<128xi32, #tpu.memory_space<vmem>>) semaphore(%dma_start3A_250 : memref<!tpu.dma_semaphore, #tpu.memory_space<semaphore_mem>>)
      } else {
      }
      "tpu.region"() ({
        %run_scoped3A_212 = tpu.sem_alloc : memref<!tpu.dma_semaphore, #tpu.memory_space<semaphore_mem>>
        %dma_start3A_213 = arith.constant 0 : i32
        %dma_start3A_214 = arith.constant 0 : i32
        %dma_start3A_215 = tpu.memref_slice %arg7[%rem3A_189, %dma_start3A_213, %dma_start3A_214] : memref<3x128x128xf32, #tpu.memory_space<vmem>> -> memref<1x128x128xf32, #tpu.memory_space<vmem>>
        %dma_start3A_216 = tpu.memref_squeeze %dma_start3A_215 : memref<1x128x128xf32, #tpu.memory_space<vmem>> -> memref<128x128xf32, #tpu.memory_space<vmem>>
        %dma_start3A_217 = arith.constant 0 : i32
        %dma_start3A_218 = tpu.memref_slice %arg6[%rem3A_189, %dma_start3A_217] : memref<3x128xi32, #tpu.memory_space<vmem>> -> memref<1x128xi32, #tpu.memory_space<vmem>>
        %dma_start3A_219 = tpu.memref_squeeze %dma_start3A_218 : memref<1x128xi32, #tpu.memory_space<vmem>> -> memref<128xi32, #tpu.memory_space<vmem>>
        %dma_start3A_220 = arith.constant 0 : i32
        %dma_start3A_221 = arith.constant 0 : i32
        %dma_start3A_222 = tpu.memref_slice %arg8[%dma_start3A_220, %dma_start3A_221] : memref<10112x128xf32, #tpu.memory_space<vmem_shared>> -> memref<10112x128xf32, #tpu.memory_space<vmem_shared>>
        tpu.enqueue_indirect_dma source(%dma_start3A_216 : memref<128x128xf32, #tpu.memory_space<vmem>>) target(%dma_start3A_222 : memref<10112x128xf32, #tpu.memory_space<vmem_shared>>) offsets(%dma_start3A_219 : memref<128xi32, #tpu.memory_space<vmem>>) semaphore(%run_scoped3A_212 : memref<!tpu.dma_semaphore, #tpu.memory_space<semaphore_mem>>) {add = true}
        %dma_wait3A_223 = arith.constant 0 : i32
        %dma_wait3A_224 = arith.constant 0 : i32
        %dma_wait3A_225 = tpu.memref_slice %arg7[%rem3A_189, %dma_wait3A_223, %dma_wait3A_224] : memref<3x128x128xf32, #tpu.memory_space<vmem>> -> memref<1x128x128xf32, #tpu.memory_space<vmem>>
        %dma_wait3A_226 = tpu.memref_squeeze %dma_wait3A_225 : memref<1x128x128xf32, #tpu.memory_space<vmem>> -> memref<128x128xf32, #tpu.memory_space<vmem>>
        %dma_wait3A_227 = arith.constant 0 : i32
        %dma_wait3A_228 = tpu.memref_slice %arg6[%rem3A_189, %dma_wait3A_227] : memref<3x128xi32, #tpu.memory_space<vmem>> -> memref<1x128xi32, #tpu.memory_space<vmem>>
        %dma_wait3A_229 = tpu.memref_squeeze %dma_wait3A_228 : memref<1x128xi32, #tpu.memory_space<vmem>> -> memref<128xi32, #tpu.memory_space<vmem>>
        %dma_wait3A_230 = arith.constant 0 : i32
        %dma_wait3A_231 = arith.constant 0 : i32
        %dma_wait3A_232 = tpu.memref_slice %arg8[%dma_wait3A_230, %dma_wait3A_231] : memref<10112x128xf32, #tpu.memory_space<vmem_shared>> -> memref<10112x128xf32, #tpu.memory_space<vmem_shared>>
        tpu.wait_indirect_dma semaphore(%run_scoped3A_212 : memref<!tpu.dma_semaphore, #tpu.memory_space<semaphore_mem>>) src(%dma_wait3A_226 : memref<128x128xf32, #tpu.memory_space<vmem>>) dst(%dma_wait3A_232 : memref<10112x128xf32, #tpu.memory_space<vmem_shared>>)
        tpu.yield
      }) : () -> ()
      %add3A_206 = arith.constant 3 : i32
      %add3A_207 = arith.addi %add3A_188, %add3A_206 : i32
      %lt3A_208 = arith.cmpi slt, %add3A_207, %select_n3A_26 : i32
      %convert_element_type3A_209 = arith.extui %lt3A_208 : i1 to i32
      %cond3A_210 = arith.constant 0 : i32
      %cond3A_211 = arith.cmpi ne, %convert_element_type3A_209, %cond3A_210 : i32
      scf.if %cond3A_211 {
        %add3A_212 = arith.constant 3 : i32
        %add3A_213 = arith.addi %add3A_188, %add3A_212 : i32
        %mul3A_214 = arith.constant 128 : i32
        %mul3A_215 = arith.muli %add3A_213, %mul3A_214 : i32
        %add3A_216 = arith.addi %mul3A_28, %mul3A_215 : i32
        %dma_start3A_217 = arith.constant 0 : i32
        %dma_start3A_218 = tpu.memref_slice %arg5[%rem3A_189, %dma_start3A_217] : memref<3x128xi32, #tpu.memory_space<vmem>> -> memref<1x128xi32, #tpu.memory_space<vmem>>
        %dma_start3A_219 = tpu.memref_squeeze %dma_start3A_218 : memref<1x128xi32, #tpu.memory_space<vmem>> -> memref<128xi32, #tpu.memory_space<vmem>>
        %dma_start3A_220 = tpu.memref_slice %arg3[%add3A_216] : memref<640000xi32, #tpu.memory_space<hbm>> -> memref<128xi32, #tpu.memory_space<hbm>>
        %dma_start3A_221 = arith.constant 0 : i32
        %dma_start3A_222 = tpu.memref_slice %arg5[%rem3A_189, %dma_start3A_221] : memref<3x128xi32, #tpu.memory_space<vmem>> -> memref<1x128xi32, #tpu.memory_space<vmem>>
        %dma_start3A_223 = tpu.memref_squeeze %dma_start3A_222 : memref<1x128xi32, #tpu.memory_space<vmem>> -> memref<128xi32, #tpu.memory_space<vmem>>
        %dma_start3A_224 = tpu.memref_slice %arg3[%add3A_216] : memref<640000xi32, #tpu.memory_space<hbm>> -> memref<128xi32, #tpu.memory_space<hbm>>
        tpu.enqueue_dma source(%dma_start3A_224 : memref<128xi32, #tpu.memory_space<hbm>>) target(%dma_start3A_223 : memref<128xi32, #tpu.memory_space<vmem>>) target_semaphore(%arg9 : memref<!tpu.dma_semaphore, #tpu.memory_space<semaphore_mem>>)
        %add3A_225 = arith.constant 320000 : i32
        %add3A_226 = arith.addi %add3A_225, %add3A_216 : i32
        %dma_start3A_227 = arith.constant 0 : i32
        %dma_start3A_228 = tpu.memref_slice %arg6[%rem3A_189, %dma_start3A_227] : memref<3x128xi32, #tpu.memory_space<vmem>> -> memref<1x128xi32, #tpu.memory_space<vmem>>
        %dma_start3A_229 = tpu.memref_squeeze %dma_start3A_228 : memref<1x128xi32, #tpu.memory_space<vmem>> -> memref<128xi32, #tpu.memory_space<vmem>>
        %dma_start3A_230 = tpu.memref_slice %arg3[%add3A_226] : memref<640000xi32, #tpu.memory_space<hbm>> -> memref<128xi32, #tpu.memory_space<hbm>>
        %dma_start3A_231 = arith.constant 0 : i32
        %dma_start3A_232 = tpu.memref_slice %arg6[%rem3A_189, %dma_start3A_231] : memref<3x128xi32, #tpu.memory_space<vmem>> -> memref<1x128xi32, #tpu.memory_space<vmem>>
        %dma_start3A_233 = tpu.memref_squeeze %dma_start3A_232 : memref<1x128xi32, #tpu.memory_space<vmem>> -> memref<128xi32, #tpu.memory_space<vmem>>
        %dma_start3A_234 = tpu.memref_slice %arg3[%add3A_226] : memref<640000xi32, #tpu.memory_space<hbm>> -> memref<128xi32, #tpu.memory_space<hbm>>
        tpu.enqueue_dma source(%dma_start3A_234 : memref<128xi32, #tpu.memory_space<hbm>>) target(%dma_start3A_233 : memref<128xi32, #tpu.memory_space<vmem>>) target_semaphore(%arg10 : memref<!tpu.dma_semaphore, #tpu.memory_space<semaphore_mem>>)
      } else {
      }
    }
    %barrier3A_183 = arith.constant 0 : index
    tpu.barrier barrier_id(%barrier3A_183)
    %mul3A_184 = arith.constant 632 : i32
    %mul3A_185 = arith.muli %arg1, %mul3A_184 : i32
    "tpu.region"() ({
      %run_scoped3A_186 = tpu.sem_alloc : memref<!tpu.dma_semaphore, #tpu.memory_space<semaphore_mem>>
      %dma_start3A_187 = arith.constant 0 : i32
      %dma_start3A_188 = tpu.memref_slice %arg4[%arg0, %mul3A_185, %dma_start3A_187] : memref<2x10112x128xf32, #tpu.memory_space<hbm>> -> memref<1x632x128xf32, #tpu.memory_space<hbm>>
      %dma_start3A_189 = tpu.memref_squeeze %dma_start3A_188 : memref<1x632x128xf32, #tpu.memory_space<hbm>> -> memref<632x128xf32, #tpu.memory_space<hbm>>
      %dma_start3A_190 = arith.constant 0 : i32
      %dma_start3A_191 = tpu.memref_slice %arg8[%mul3A_185, %dma_start3A_190] : memref<10112x128xf32, #tpu.memory_space<vmem_shared>> -> memref<632x128xf32, #tpu.memory_space<vmem_shared>>
      tpu.enqueue_dma source(%dma_start3A_191 : memref<632x128xf32, #tpu.memory_space<vmem_shared>>) target(%dma_start3A_189 : memref<632x128xf32, #tpu.memory_space<hbm>>) target_semaphore(%run_scoped3A_186 : memref<!tpu.dma_semaphore, #tpu.memory_space<semaphore_mem>>)
      %dma_wait3A_192 = arith.constant 0 : i32
      %dma_wait3A_193 = tpu.memref_slice %arg4[%arg0, %mul3A_185, %dma_wait3A_192] : memref<2x10112x128xf32, #tpu.memory_space<hbm>> -> memref<1x632x128xf32, #tpu.memory_space<hbm>>
      %dma_wait3A_194 = tpu.memref_squeeze %dma_wait3A_193 : memref<1x632x128xf32, #tpu.memory_space<hbm>> -> memref<632x128xf32, #tpu.memory_space<hbm>>
      %dma_wait3A_195 = arith.constant 0 : i32
      %dma_wait3A_196 = tpu.memref_slice %arg8[%mul3A_185, %dma_wait3A_195] : memref<10112x128xf32, #tpu.memory_space<vmem_shared>> -> memref<632x128xf32, #tpu.memory_space<vmem_shared>>
      tpu.wait_dma2 semaphore(%run_scoped3A_186 : memref<!tpu.dma_semaphore, #tpu.memory_space<semaphore_mem>>) src(%dma_wait3A_196 : memref<632x128xf32, #tpu.memory_space<vmem_shared>>) dst(%dma_wait3A_194 : memref<632x128xf32, #tpu.memory_space<hbm>>)
      tpu.yield
    }) : () -> ()
    return
  }
}

module attributes {stable_mosaic.version = 14 : i64} {
  func.func @body(%arg0: memref<2x10112x128xf32, #tpu.memory_space<vmem>>, %arg1: memref<128x128xf32, #tpu.memory_space<vmem>>, %arg2: memref<10000x128xf32, #tpu.memory_space<vmem>>) attributes {dimension_semantics = [], scalar_prefetch = 0 : i64, scratch_operands = 0 : i64, tpu.core_type = #tpu.core_type<tc>} {
    %get3A = arith.constant 0 : index
    %get3A_0 = arith.constant 0 : index
    %get3A_1 = arith.constant 0 : index
    %get3A_2 = vector.load %arg0[%get3A, %get3A_0, %get3A_1] : memref<2x10112x128xf32, #tpu.memory_space<vmem>>, vector<1x10000x128xf32>
    %get3A_3 = vector.shape_cast %get3A_2 : vector<1x10000x128xf32> to vector<10000x128xf32>
    %get3A_4 = arith.constant 1 : index
    %get3A_5 = arith.constant 0 : index
    %get3A_6 = arith.constant 0 : index
    %get3A_7 = vector.load %arg0[%get3A_4, %get3A_5, %get3A_6] : memref<2x10112x128xf32, #tpu.memory_space<vmem>>, vector<1x10000x128xf32>
    %get3A_8 = vector.shape_cast %get3A_7 : vector<1x10000x128xf32> to vector<10000x128xf32>
    %add3A = arith.addf %get3A_3, %get3A_8 : vector<10000x128xf32>
    %get3A_9 = arith.constant 0 : index
    %get3A_10 = arith.constant 0 : index
    %get3A_11 = vector.load %arg1[%get3A_9, %get3A_10] : memref<128x128xf32, #tpu.memory_space<vmem>>, vector<128x128xf32>
    %dot_general3A = arith.constant dense<0.000000e+00> : vector<10000x128xf32>
    %dot_general3A_12 = tpu.matmul %add3A, %get3A_11, %dot_general3A {dimension_numbers = #tpu.dot_dimension_numbers<[1], [1], [0], [0], [0, 0, 1, 0], [], []>, transpose_lhs_hint = false} : vector<10000x128xf32>, vector<128x128xf32>, vector<10000x128xf32> -> vector<10000x128xf32>
    %swap3A = arith.constant 0 : index
    %swap3A_13 = arith.constant 0 : index
    %swap3A_14 = vector.load %arg2[%swap3A, %swap3A_13] : memref<10000x128xf32, #tpu.memory_space<vmem>>, vector<10000x128xf32>
    tpu.vector_store %arg2[%swap3A, %swap3A_13], %dot_general3A_12 {strides = array<i32>} : memref<10000x128xf32, #tpu.memory_space<vmem>>, vector<10000x128xf32>,
    return
  }
}

</mosaic_0001>

<sc_bundles>
// kernel: kernel.4.cloned.1.call-start
scs
__scs_entry_jumppad:
0x0: {  	(pc) =	sbr.rel $0x88, $3  }
0x1: {  	(tag) =	ssettag $0x0;
	lr =	simm.s32 $0x1  }
0x2: {  	[smem:$0x3F9E] =	sst lr;
	_ =	strace $0xD0000000  }
0x3: {  	_ = 	snop  }
0x4: {  	_ = 	snop  }
0x5: {  	_ = 	snop  }
0x6: {  	_ = 	snop  }
0x7: {  	_ = 	snop  }
__scs_overlays_trampoline_lowered:
0x8: {  	[smem:$0x3FAD] =	sst s0  }
0x9: {  	[smem:$0x3FAE] =	sst s1  }
0xa: {  	[smem:$0x3FAF] =	sst s2  }
0xb: {  	[smem:$0x3FB0] =	sst s3  }
0xc: {  	[smem:$0x3FB1] =	sst s4  }
0xd: {  	[smem:$0x3FB2] =	sst s5  }
0xe: {  	[smem:$0x3FB3] =	sst s6  }
0xf: {  	[smem:$0x3FB4] =	sst s7  }
0x10: {  	[smem:$0x3FB5] =	sst s8  }
0x11: {  	[smem:$0x3FB6] =	sst s9;
	s0 =	simm.s32 @!p0 $0x0  }
0x12: {  	s1 =	sld [smem:$0x3F9C];
	s0 =	simm.s32 @p0 $0x1  }
0x13: {  	[smem:$0x3FB7] =	sst s0;
	s0 =	simm.s32 @!p1 $0x0  }
0x14: {  	s2 =	sld [smem:$0x3F9B];
	s0 =	simm.s32 @p1 $0x1  }
0x15: {  	[smem:$0x3FB8] =	sst s0;
	s0 =	simm.s32 @!p2 $0x0  }
0x16: {  	s3 =	sld [smem:$0x3FDB];
	s0 =	simm.s32 @p2 $0x1  }
0x17: {  	s4 =	simm.s32 $0x1BF5;
	[smem:$0x3FBA] =	sst s0  }
0x18: {  	s0 =	sld [smem:$0x3F9D];
	_ =	swait.ge [sflag:s4], $0x0  }
0x19: {  	s7 =	sld [smem:$0x3F9E]  }
0x1a: {  	s8 =	sadd.s32 $0xFFFFE003, lr  }
0x1b: {  	s9 =	sadd.s32 $0xFFFFFEF7, lr;
	s5 =	simm.s32 $0xFFFFFFFF;
	p2 =	slt.u32 s8, $0xFFFFF086  }
0x1c: {  	p1 =	slt.u32 s9, $0xF7A;
	s5 =	simm.s32 @!p2 $0x0  }
0x1d: {  	s5 =	simm.s32 @p1 $0x1;
	p0 =	seq.s32 s7, s2  }
0x1e: {  	s7 =	smul.u32 @!p0 $0xF7A, s2;
	p2 =	seq.s32 @!p0 s5, $0x0  }
0x1f: {  	s9 =	smul.u32 $0xF7A, s1;
	s8 =	simm.s32 @!p0 $0x1BF5;
	p2 =	por !p2, p0  }
0x20: {  	[sflag:s8] =	ssyncset.s32 @!p0 $0xFFFFF086;
	s6 =	sadd.s32 @!p0 s3, s7;
	s7 =	simm.s32 @!p0 $0x108  }
0x21: {  	s3 =	sadd.s32 s3, s9;
	s6 =	sadd.s32 @!p0 $0x88, s6;
	s7 =	simm.s32 @p2 $0x1082  }
0x22: {  	[simem:s7], [sflag:s8] =	dma.local @!p0 [hbm:s6], $0xF7A  }
0x23: {  	s9 =	sor.u32 $0xD0000000, s2;
	s6 =	simm.s32 $0x108;
	_ =	swait.ge @!p0 [sflag:s8], $0x0  }
0x24: {  	s3 =	sadd.s32 $0x88, s3;
	s6 =	simm.s32 @!p1 $0x1082;
	[sflag:s4] =	ssyncset.s32 $0xFFFFF086  }
0x25: {  	[simem:s6], [sflag:s4] =	dma.local [hbm:s3], $0xF7A  }
0x26: {  	[smem:$0x3F9E] =	sst s1;
	(tag) =	ssettag s2;
	_ =	strace s9  }
0x27: {  	s1 =	sld [smem:$0x3FAE]  }
0x28: {  	s2 =	sld [smem:$0x3FAF]  }
0x29: {  	s4 =	sld [smem:$0x3FB1]  }
0x2a: {  	p0 =	seq.s32 s5, $0x0;
	s5 =	sld [smem:$0x3FB2]  }
0x2b: {  	s6 =	sld [smem:$0x3FB3]  }
0x2c: {  	s7 =	sld [smem:$0x3FB4]  }
0x2d: {  	s3 =	simm.s32 $0x108;
	s8 =	sld [smem:$0x3FB5]  }
0x2e: {  	s3 =	simm.s32 @!p0 $0x1082;
	s9 =	sld [smem:$0x3FB6]  }
0x2f: {  	lr =	sadd.s32 s0, s3;
	s0 =	sld [smem:$0x3FAD]  }
0x30: {  	s3 =	sld [smem:$0x3FB0]  }
0x31: {  	[smem:$0x3FB9] =	sst s10  }
0x32: {  	s10 =	sld [smem:$0x3FB7];
	_ =	sdelay $0x3  }
0x33: {  	p0 =	seq.s32 s10, $0x1;
	s10 =	sld [smem:$0x3FB9];
	_ =	sdelay $0x3  }
0x34: {  	[smem:$0x3FB9] =	sst s10  }
0x35: {  	s10 =	sld [smem:$0x3FB8];
	_ =	sdelay $0x3  }
0x36: {  	p1 =	seq.s32 s10, $0x1;
	s10 =	sld [smem:$0x3FB9];
	_ =	sdelay $0x3  }
0x37: {  	[smem:$0x3FB9] =	sst s10  }
0x38: {  	s10 =	sld [smem:$0x3FBA]  }
0x39: {  	_ = 	snop;
	(pc) =	sbr.ind lr, $3  }
0x3a: {  	_ = 	snop  }
0x3b: {  	_ = 	snop  }
0x3c: {  	p2 =	seq.s32 s10, $0x1;
	s10 =	sld [smem:$0x3FB9]  }
0x3d: {  	_ =	shalt  }
0x3e: {  	_ =	shalt  }
0x3f: {  	_ =	shalt  }
0x40: {  	_ =	shalt  }
0x41: {  	_ =	shalt  }
0x42: {  	_ =	shalt  }
0x43: {  	_ =	shalt  }
0x44: {  	_ =	shalt  }
0x45: {  	_ =	shalt  }
0x46: {  	_ =	shalt  }
0x47: {  	_ =	shalt  }
0x48: {  	_ =	shalt  }
0x49: {  	_ =	shalt  }
0x4a: {  	_ =	shalt  }
0x4b: {  	_ =	shalt  }
0x4c: {  	_ =	shalt  }
0x4d: {  	_ =	shalt  }
0x4e: {  	_ =	shalt  }
0x4f: {  	_ =	shalt  }
0x50: {  	_ =	shalt  }
0x51: {  	_ =	shalt  }
0x52: {  	_ =	shalt  }
0x53: {  	_ =	shalt  }
0x54: {  	_ =	shalt  }
0x55: {  	_ =	shalt  }
0x56: {  	_ =	shalt  }
0x57: {  	_ =	shalt  }
0x58: {  	_ =	shalt  }
0x59: {  	_ =	shalt  }
0x5a: {  	_ =	shalt  }
0x5b: {  	_ =	shalt  }
0x5c: {  	_ =	shalt  }
0x5d: {  	_ =	shalt  }
0x5e: {  	_ =	shalt  }
0x5f: {  	_ =	shalt  }
0x60: {  	_ =	shalt  }
0x61: {  	_ =	shalt  }
0x62: {  	_ =	shalt  }
0x63: {  	_ =	shalt  }
0x64: {  	_ =	shalt  }
0x65: {  	_ =	shalt  }
0x66: {  	_ =	shalt  }
0x67: {  	_ =	shalt  }
0x68: {  	_ =	shalt  }
0x69: {  	_ =	shalt  }
0x6a: {  	_ =	shalt  }
0x6b: {  	_ =	shalt  }
0x6c: {  	_ =	shalt  }
0x6d: {  	_ =	shalt  }
0x6e: {  	_ =	shalt  }
0x6f: {  	_ =	shalt  }
0x70: {  	_ =	shalt  }
0x71: {  	_ =	shalt  }
0x72: {  	_ =	shalt  }
0x73: {  	_ =	shalt  }
0x74: {  	_ =	shalt  }
0x75: {  	_ =	shalt  }
0x76: {  	_ =	shalt  }
0x77: {  	_ =	shalt  }
0x78: {  	_ =	shalt  }
0x79: {  	_ =	shalt  }
0x7a: {  	_ =	shalt  }
0x7b: {  	_ =	shalt  }
0x7c: {  	_ =	shalt  }
0x7d: {  	_ =	shalt  }
0x7e: {  	_ =	shalt  }
0x7f: {  	_ =	shalt  }
0x80: {  	_ =	shalt  }
0x81: {  	_ =	shalt  }
0x82: {  	_ =	shalt  }
0x83: {  	_ =	shalt  }
0x84: {  	_ =	shalt  }
0x85: {  	_ =	shalt  }
0x86: {  	_ =	shalt  }
0x87: {  	_ =	shalt  }
.Lfunc_end0:
.L_simem_size_0:
called_computation_lowered:
.L_overlay_start_0:
0x88: {  	s2 =	sld [smem:$0x3FD9]  }
0x89: {  	s3 =	sld [smem:$0x3FFE];
	_ =	sdelay $0x1  }
0x8a: {  	s1 =	srdreg.scid  }
0x8b: {  	s0 =	sand.u32 $0x1, s1  }
0x8c: {  	s17 =	sshll.u32 s0, $0xA;
	s2 =	sadd.s32 s3, s2  }
0x8d: {  	s2 =	sadd.s32 s2, s17  }
0x8e: {  	[smem:$0x3FC5] =	sst s2  }
0x8f: {  	_ = 	snop  }
0x90: {  	s2 =	sld [smem:$0x3FC9]  }
0x91: {  	s18 =	sld [smem:$0x3FD0];
	(tm) =	ssettm $0x1  }
0x92: {  	s4 =	sld [smem:$0x3FFB];
	_ =	sdelay $0x3  }
0x93: {  	_ =	strace s4  }
0x94: {  	s4 =	sld [smem:$0x3FFC];
	_ =	sdelay $0x3  }
0x95: {  	_ =	strace s4  }
0x96: {  	s4 =	sld [smem:$0x3FFD];
	_ =	sdelay $0x3  }
0x97: {  	_ =	strace s4  }
0x98: {  	_ =	strace $0x8FFFFFFF  }
0x99: {  	s19 =	sld [smem:$0x3FDB];
	_ =	sdelay $0x1  }
0x9a: {  	s5 =	simm.s32 $_scs_section_size  }
0x9b: {  	s6 =	simm.s32 $_size__tile_overlayer_lowered;
	s7 =	simm.s32 $_tile_overlayer_lowered  }
0x9c: {  	s22 =	simm.s32 $0x1BFF;
	s21 =	sshll.u32 s7, $0x1;
	s4 =	sadd.s32 s5, s19  }
0x9d: {  	s8 =	simm.s32 $0x0;
	s20 =	sshll.u32 s6, $0x1;
	s6 =	sadd.s32 s21, s4  }
0x9e: {  	[timem:s8], [sflag:s22] =	dma.local [hbm:s6], s20  }
0x9f: {  	_ =	swait.ge [sflag:s22], s20  }
0xa0: {  	s5 =	ssub.s32 $0x0, s20;
	[sflag:s22] =	ssyncset.done $0x0  }
0xa1: {  	[sflag:s22] =	ssyncadd.s32 s5;
	_ =	sdelay $0x1  }
0xa2: {  	s23 =	simm.s32 $0x1B8B  }
0xa3: {  	_ =	swait.ge [sflag:s23], $0x1  }
0xa4: {  	[sflag:s23] =	ssyncset.done $0x0  }
0xa5: {  	s25 =	simm.s32 $0x1B8E;
	s24 =	sld [smem:$0x3FFE];
	[sflag:s23] =	ssyncadd.s32 $0xFFFFFFFF  }
0xa6: {  	s26 =	simm.s32 $execute0_lowered;
	[smem:$0x3FD2] =	sst s25  }
0xa7: {  	s6 =	sshll.u32 s26, $0x1;
	_ =	strace $0x80000046;
	[dreg:$0x1] =	wrdreg $0xFFFFFFFF  }
0xa8: {  	s28 =	simm.s32 $_size_execute0_lowered;
	s4 =	sadd.s32 s4, s6;
	[dreg:$0x0] =	wrdreg $0x0  }
0xa9: {  	s6 =	sshll.u32 s28, $0x1;
	[dreg:$0x2] =	wrdreg s4  }
0xaa: {  	[dreg:$0x3] =	wrdreg s6  }
0xab: {  	[dreg:$0x4] =	wrdreg $0xC0  }
0xac: {  	_ =	task [dreg:s8], $0x5FFFF  }
0xad: {  	[dreg:$0x1] =	wrdreg $0xFFFFFFFF  }
0xae: {  	[dreg:$0x0] =	wrdreg $0x60  }
0xaf: {  	[dreg:$0x2] =	wrdreg s2  }
0xb0: {  	[dreg:$0x3] =	wrdreg s18  }
0xb1: {  	[dreg:$0x4] =	wrdreg s24  }
0xb2: {  	[dreg:$0x5] =	wrdreg $0xC4000  }
0xb3: {  	[dreg:$0x6] =	wrdreg $0x9  }
0xb4: {  	_ =	task.clear_ibuf [dreg:s8], $0x7FFFF;
	_ =	strace $0x90000046  }
0xb5: {  	s29 =	simm.s32 $0x9;
	_ =	strace $0x80000048  }
0xb6: {  	_ =	swait.ge [sflag:s29], $0x1  }
0xb7: {  	[sflag:s29] =	ssyncadd.s32 $0xFFFFFFFF  }
0xb8: {  	_ =	strace $0x90000048  }
0xb9: {  	_ =	sfence  }
0xba: {  	s30 =	sld [smem:$0x0];
	_ =	sdelay $0x2  }
0xbb: {  	s31 =	sshll.u32 s1, $0xD;
	s1 =	sshrl.u32 s1, $0x2  }
0xbc: {  	s3 =	sand.u32 $0x4000, s31;
	s1 =	sadd.s32 s1, s30  }
0xbd: {  	s0 =	sor.u32 s3, s0;
	s1 =	sshll.u32 s1, $0x11  }
0xbe: {  	s0 =	sor.u32 s1, s0  }
0xbf: {  	s0 =	sadd.s32 $0x8F2B, s0  }
0xc0: {  	[sflag:s0] =	ssyncadd.remote.s32 $0x1  }
0xc1: {  	_ =	sfence.sel $0xFFFF  }
0xc2: {  	[dreg:$0x0] =	wrdreg $0xFFFFFFFF;
	(pc) =	sbr.abs _section_cstart, $3  }
0xc3: {  	[dreg:$0x1] =	wrdreg $0xFFFFFFFF  }
0xc4: {  	_ =	task.clear_ibuf [dreg:s8], $0x2FFFF;
	_ =	strace $0x9FFFFFFF  }
0xc5: {  	(tm) =	ssettm $0x7FFFFFFF  }
tec
execute0_lowered:
.L_overlay_start_1:
0x0: {  	(tag) =	ssettag $0x1  }
0x1: {  	s0 =	rddreg [dreg:$0x0]  }
0x2: {  	s1 =	rddreg [dreg:$0x1]  }
0x3: {  	s2 =	srdreg.scid;
	s10 =	stileid.u32  }
0x4: {  	s5 =	rddreg [dreg:$0x2];
	s7 =	smul.u32 $0x13C00, s10  }
0x5: {  	s3 =	rddreg [dreg:$0x3];
	s2 =	sand.u32 $0x1, s2;
	s23 =	smul.u32 $0x4D, s10  }
0x6: {  	s4 =	simm.s32 $0x0;
	s20 =	simm.s32 $0x6;
	s6 =	smul.u32 $0x13C000, s2  }
0x7: {  	[smem:$0x7FF] =	sst s4;
	s8 =	smul.u32 $0x4F000, s10;
	s9 =	smin.u32 s10, $0x4  }
0x8: {  	p1 =	slt.u32 s10, $0x4;
	_ =	strace $0x80000047;
	s6 =	sadd.s32 s7, s6  }
0x9: {  	s22 =	ssub.s32 $0x2, s2;
	p0 =	seq.s32 s2, $0x0;
	s6 =	sshrl.u32 s6, $0x3  }
0xa: {  	s14 =	sadd.s32 s6, s5;
	s5 =	smul.u32 $0x4F, s10;
	s6 =	sadd.s32 s9, s23  }
0xb: {  	s24 =	sshrl.u32 s22, $0x1;
	s25 =	sshrl.u32 s8, $0x2;
	s2 =	sadd.s32 $0x4F0, s6  }
0xc: {  	s15 =	ssub.s32 s22, s24;
	s22 =	simm.s32 $0x1;
	s2 =	smov.u32 @p0 s5  }
0xd: {  	s15 =	smax.u32 s15, $0x1;
	s6 =	sadd.s32 s25, s3;
	s2 =	sshll.u32 s2, $0x4  }
0xe: {  	s23 =	simm.s32 $0x80;
	s7 =	sadd.s32 $0x10000, s6;
	s8 =	sadd.s32 s1, s2  }
0xf: {  	s14 =	sadd.s32 $0x800, s14;
	[dreg:$0x6] =	wrdreg s7;
	s1 =	sadd.s32 $0x9C40, s8  }
0x10: {  	s5 =	simm.s32 $0x4E;
	s26 =	sadd.s32 $0x10, s8;
	[dreg:$0x7] =	wrdreg s1  }
0x11: {  	s16 =	sadd.s32 $0x4000, s6;
	s28 =	sadd.s32 $0x9C50, s8;
	[dreg:$0x8] =	wrdreg s26  }
0x12: {  	s5 =	simm.s32 @!p1 $0x4D;
	s29 =	sadd.s32 $0x20, s8;
	[dreg:$0x9] =	wrdreg s28  }
0x13: {  	s5 =	simm.s32 @p0 $0x4F;
	s30 =	sadd.s32 $0x9C60, s8;
	[dreg:$0xa] =	wrdreg s29  }
0x14: {  	s17 =	sadd.s32 $0x8000, s6;
	s31 =	sshll.u32 s5, $0x9;
	[dreg:$0xb] =	wrdreg s30  }
0x15: {  	v0 =	vimm.f32 $0.0e+00;
	s18 =	sadd.s32 $0xC000, s6;
	s25 =	sadd.s32 $0x9C70, s8;
	[dreg:$0x5] =	wrdreg s31  }
.LBB2_1:
0x16: {  	s1 =	simm.s32 $0x0;
	s2 =	simm.s32 $0x200  }
.LBB2_2:
0x17: {  	p0 =	sne.s32 s2, $0xFE00;
	[tilespmem:s1+$0x470] =	vst v0  }
0x18: {  	[tilespmem:s1+$0x400] =	vst v0  }
0x19: {  	[tilespmem:s1+$0x410] =	vst v0  }
.Ltmp0:
0x1a: {  	[tilespmem:s1+$0x420] =	vst v0;
	(pc) =	sbr.rel @p0 .LBB2_2-.Ltmp0, $4  }
0x1b: {  	[tilespmem:s1+$0x430] =	vst v0  }
0x1c: {  	[tilespmem:s1+$0x440] =	vst v0  }
0x1d: {  	[tilespmem:s1+$0x450] =	vst v0  }
0x1e: {  	[tilespmem:s1+$0x460] =	vst v0;
	s1 =	sshra.s32 s2, $0x2;
	s2 =	sadd.s32 $0x200, s2  }
0x1f: {  	[tilespmem:s1+$0x470] =	vst v0  }
0x20: {  	[tilespmem:s1+$0x400] =	vst v0  }
0x21: {  	[tilespmem:s1+$0x410] =	vst v0  }
0x22: {  	[tilespmem:s1+$0x420] =	vst v0  }
0x23: {  	[tilespmem:s1+$0x430] =	vst v0  }
0x24: {  	[tilespmem:s1+$0x440] =	vst v0  }
0x25: {  	[tilespmem:s1+$0x450] =	vst v0  }
0x26: {  	[tilespmem:s1+$0x460] =	vst v0;
	s29 =	simm.s32 $0x400  }
0x27: {  	[spmem:s6] =	stream.linear.scatter [tilespmem:s29], [sflag:$0x6], $0x4000, $0x38;
	v63 =	vld [tilespmem:$0x0]  }
0x28: {  	_ =	swait.ge [sflag:s20], $0x4000  }
0x29: {  	[sflag:s20] =	ssyncset.done $0x0  }
0x2a: {  	[sflag:s20] =	ssyncadd.s32 $0xFFFFC000  }
0x2b: {  	[spmem:s16] =	stream.linear.scatter [tilespmem:s29], [sflag:$0x6], $0x4000, $0x38;
	v63 =	vld [tilespmem:$0x0]  }
0x2c: {  	_ =	swait.ge [sflag:s20], $0x4000  }
0x2d: {  	[sflag:s20] =	ssyncset.done $0x0  }
0x2e: {  	[sflag:s20] =	ssyncadd.s32 $0xFFFFC000  }
0x2f: {  	[spmem:s17] =	stream.linear.scatter [tilespmem:s29], [sflag:$0x6], $0x4000, $0x38;
	v63 =	vld [tilespmem:$0x0]  }
0x30: {  	_ =	swait.ge [sflag:s20], $0x4000  }
0x31: {  	[sflag:s20] =	ssyncset.done $0x0  }
0x32: {  	[sflag:s20] =	ssyncadd.s32 $0xFFFFC000  }
0x33: {  	[spmem:s18] =	stream.linear.scatter [tilespmem:s29], [sflag:$0x6], $0x4000, $0x38;
	v63 =	vld [tilespmem:$0x0]  }
0x34: {  	_ =	swait.ge [sflag:s20], $0x4000  }
0x35: {  	[sflag:s20] =	ssyncset.done $0x0  }
0x36: {  	s9 =	rddreg [dreg:$0x6];
	[sflag:s20] =	ssyncadd.s32 $0xFFFFC000  }
0x37: {  	[spmem:s9] =	stream.linear.scatter [tilespmem:s29], [sflag:$0x6], $0x3C00, $0x38;
	v63 =	vld [tilespmem:$0x0]  }
0x38: {  	_ =	swait.ge [sflag:s20], $0x3C00  }
0x39: {  	[sflag:s20] =	ssyncset.done $0x0  }
0x3a: {  	[sflag:s20] =	ssyncadd.s32 $0xFFFFC400  }
0x3b: {  	s30 =	simm.s32 $0x0;
	[bflag:$0x0] =	sbarrier.arrive $0xFFFF  }
0x3c: {  	[tilespmem:s30], [sflag:$0x1] =	stream.linear.gather [hbm4b:s8+s30], $0x80, $0x38;
	v63 =	vld [tilespmem:$0x0]  }
0x3d: {  	s2 =	simm.s32 $0x200;
	s10 =	rddreg [dreg:$0x7]  }
0x3e: {  	[tilespmem:s2], [sflag:$0x2] =	stream.linear.gather [hbm4b:s10+s30], $0x80, $0x38;
	v63 =	vld [tilespmem:$0x0]  }
0x3f: {  	_ =	swait.ge [sflag:s22], $0x80  }
0x40: {  	[sflag:s22] =	ssyncset.done $0x0  }
0x41: {  	s31 =	simm.s32 $0x2;
	[sflag:s22] =	ssyncadd.s32 $0xFFFFFF80  }
0x42: {  	_ =	swait.ge [sflag:s31], $0x80  }
0x43: {  	[sflag:s31] =	ssyncset.done $0x0  }
0x44: {  	[sflag:s31] =	ssyncadd.s32 $0xFFFFFF80  }
0x45: {  	[tilespmem:s29], [sflag:$0x3] =	stream.indirect.gather [hbm4b:s0+s23], $0x80, s30, s23, $0xb8;
	v63 =	vld [tilespmem:$0x0]  }
0x46: {  	s11 =	rddreg [dreg:$0x8]  }
0x47: {  	[tilespmem:s23], [sflag:$0x1] =	stream.linear.gather [hbm4b:s11+s30], $0x80, $0x38;
	v63 =	vld [tilespmem:$0x0]  }
0x48: {  	s13 =	simm.s32 $0x280;
	s12 =	rddreg [dreg:$0x9]  }
0x49: {  	[tilespmem:s13], [sflag:$0x2] =	stream.linear.gather [hbm4b:s12+s30], $0x80, $0x38;
	v63 =	vld [tilespmem:$0x0]  }
0x4a: {  	_ =	swait.ge [sflag:s22], $0x80  }
0x4b: {  	[sflag:s22] =	ssyncset.done $0x0  }
0x4c: {  	[sflag:s22] =	ssyncadd.s32 $0xFFFFFF80  }
0x4d: {  	_ =	swait.ge [sflag:s31], $0x80  }
0x4e: {  	[sflag:s31] =	ssyncset.done $0x0  }
0x4f: {  	s19 =	simm.s32 $0x4400;
	s24 =	simm.s32 $0x100;
	[sflag:s31] =	ssyncadd.s32 $0xFFFFFF80  }
0x50: {  	[tilespmem:s19], [sflag:$0x4] =	stream.indirect.gather [hbm4b:s0+s23], $0x80, s23, s23, $0xb8;
	v63 =	vld [tilespmem:$0x0]  }
0x51: {  	s28 =	simm.s32 $0x300;
	s1 =	simm.s32 $0x5;
	s21 =	rddreg [dreg:$0xa]  }
0x52: {  	[tilespmem:s24], [sflag:$0x1] =	stream.linear.gather [hbm4b:s21+s30], $0x80, $0x38;
	v63 =	vld [tilespmem:$0x0]  }
0x53: {  	s2 =	simm.s32 $0x3;
	s26 =	rddreg [dreg:$0xb];
	s19 =	smov.u32 s25  }
0x54: {  	[tilespmem:s28], [sflag:$0x2] =	stream.linear.gather [hbm4b:s26+s30], $0x80, $0x38;
	v63 =	vld [tilespmem:$0x0]  }
0x55: {  	s21 =	simm.s32 $0x8400;
	s24 =	simm.s32 $0x3;
	s26 =	simm.s32 $0x0  }
.LBB2_4:
0x56: {  	s28 =	smulhi.u32 $0xAAAAAAAB, s26;
	_ =	sdelay $0x1  }
0x57: {  	s7 =	smulhi.u32 $0xAAAAAAAB, s31;
	s28 =	sshrl.u32 s28, $0x1  }
0x58: {  	s9 =	smul.u32 $0xFFFFFFF4, s28;
	_ =	sdelay $0x1  }
0x59: {  	s7 =	sshrl.u32 s7, $0x1;
	s9 =	sshra.s32 s9, $0x2  }
0x5a: {  	s10 =	smul.u32 $0xFFFFFFF4, s7;
	s9 =	sadd.s32 s9, s2  }
0x5b: {  	s11 =	sadd.s32 $0xFFFFFFFF, s24;
	s12 =	smul.u32 $0xFFFFFA00, s7;
	_ =	swait.ge [sflag:s9], $0x4000  }
0x5c: {  	p0 =	sge.u32 s11, s5;
	s7 =	smul.u32 $0xFFFD0000, s7;
	[sflag:s9] =	ssyncset.done $0x0  }
0x5d: {  	s13 =	smul.u32 $0xFFFFFA00, s28;
	[sflag:s9] =	ssyncadd.s32 $0xFFFFC000;
	s9 =	simm.s32 @!p0 $0x1  }
0x5e: {  	s28 =	smul.u32 $0xFFFD0000, s28;
	s10 =	sshra.s32 s10, $0x2;
	_ =	swait.ge @!p0 [sflag:s9], $0x80  }
0x5f: {  	s12 =	sshra.s32 s12, $0x2;
	s7 =	sshra.s32 s7, $0x2;
	[sflag:s9] =	ssyncset.done @!p0 $0x0  }
0x60: {  	s10 =	sadd.s32 s10, s1;
	[sflag:s9] =	ssyncadd.s32 @!p0 $0xFFFFFF80;
	s9 =	simm.s32 @!p0 $0x2  }
0x61: {  	s11 =	sadd.s32 $0x100, s12;
	s7 =	sadd.s32 s7, s21;
	_ =	swait.ge @!p0 [sflag:s9], $0x80  }
0x62: {  	s12 =	sshra.s32 s13, $0x2;
	s13 =	sshra.s32 @!p0 s30, $0x2;
	[sflag:s9] =	ssyncset.done @!p0 $0x0  }
0x63: {  	s11 =	sadd.s32 @!p0 s13, s11;
	[sflag:s9] =	ssyncadd.s32 @!p0 $0xFFFFFF80;
	s9 =	simm.s32 @!p0 $0x80  }
0x64: {  	[tilespmem:s7], [sflag:s10] =	stream.indirect.gather @!p0 [hbm4b:s0+s9], $0x80, s11, s9, $0xb8;
	v63 =	vld [tilespmem:$0x0]  }
0x65: {  	s13 =	sshra.s32 s30, $0x2;
	s10 =	sshra.s32 s28, $0x2;
	s11 =	sadd.s32 $0x200, s12  }
0x66: {  	s7 =	sadd.s32 s10, s29;
	s9 =	sadd.s32 s13, s11  }
0x67: {  	[spmem:s3] =	stream.indirect.scatter.add.f32 [tilespmem:s7], [sflag:$0x6], $0x80, s9, s23, $0xb8;
	v63 =	vld [tilespmem:$0x0]  }
0x68: {  	p0 =	sge.u32 s24, s5;
	_ =	swait.ge [sflag:s20], $0x4000  }
0x69: {  	s10 =	sadd.s32 @!p0 $0xFFFF63C0, s19;
	s7 =	sshra.s32 @!p0 s30, $0x2;
	[sflag:s20] =	ssyncset.done $0x0  }
0x6a: {  	s11 =	simm.s32 @!p0 $0x0;
	s7 =	sadd.s32 @!p0 s7, s12;
	[sflag:s20] =	ssyncadd.s32 $0xFFFFC000  }
0x6b: {  	[tilespmem:s7], [sflag:$0x1] =	stream.linear.gather @!p0 [hbm4b:s10+s11], $0x80, $0x38;
	v63 =	vld [tilespmem:$0x0]  }
0x6c: {  	s30 =	sadd.s32 $0x200, s30;
	s28 =	rddreg [dreg:$0x5]  }
0x6d: {  	[tilespmem:s9], [sflag:$0x2] =	stream.linear.gather @!p0 [hbm4b:s19+s11], $0x80, $0x38;
	v63 =	vld [tilespmem:$0x0]  }
0x6e: {  	p0 =	sne.s32 s28, s30  }
.Ltmp1:
0x6f: {  	_ = 	snop;
	(pc) =	sbr.rel @p0 .LBB2_4-.Ltmp1, $4  }
0x70: {  	_ = 	snop  }
0x71: {  	s26 =	sadd.s32 $0x1, s26;
	s31 =	sadd.s32 $0x1, s31  }
0x72: {  	s1 =	sadd.s32 $0x1, s1;
	s21 =	sadd.s32 $0x4000, s21;
	s2 =	sadd.s32 $0x1, s2  }
0x73: {  	s24 =	sadd.s32 $0x1, s24;
	s29 =	sadd.s32 $0x4000, s29;
	s19 =	sadd.s32 $0x10, s19  }
0x74: {  	s1 =	stileid.u32;
	s4 =	sadd.s32 $0x1, s4  }
0x75: {  	[bflag:$0x0] =	sbarrier.arrive $0xFFFF;
	s1 =	sshll.u32 s1, $0x6;
	p0 =	sne.s32 s4, s15  }
.Ltmp2:
0x76: {  	s2 =	sshrl.u32 s6, $0x3;
	s1 =	sor.u32 $0x1C06, s1;
	(pc) =	sbr.rel @p0 .LBB2_1-.Ltmp2, $4  }
0x77: {  	[hbm:s14], [sflag:s1] =	dma.local [spmem:s2], $0x2780  }
0x78: {  	_ =	swait.ge [sflag:s20], $0x2780  }
0x79: {  	[sflag:s20] =	ssyncset.done $0x0  }
0x7a: {  	[sflag:s20] =	ssyncadd.s32 $0xFFFFD880  }
0x7b: {  	_ =	sfence.sel $0x180000  }
0x7c: {  	[bflag:$0x0] =	sbarrier.arrive $0xFFFF  }
0x7d: {  	_ =	strace $0x90000047  }
0x7e: {  	s0 =	stileid.u32;
	[bflag:$0x2] =	sbarrier.arrive $0xFFFF  }
0x7f: {  	p0 =	sne.s32 s0, $0x0;
	s0 =	rddreg [dreg:$0x4]  }
0x80: {  	s0 =	sadd.s32 @!p0 $0x100000, s0  }
0x81: {  	[sflag:s0] =	ssyncadd.tile.s32 @!p0 $0x1;
	_ =	shalt  }
.Lfunc_end2:
_tile_overlayer_lowered:
.L_overlay_start_2:
0x82: {  	(tag) =	ssettag $0x2  }
0x83: {  	s0 =	rddreg [dreg:$0x0];
	s2 =	stileid.u32  }
0x84: {  	s1 =	rddreg [dreg:$0x1];
	p0 =	sne.s32 s2, $0x0  }
0x85: {  	s3 =	rddreg [dreg:$0x2];
	[bflag:$0x3] =	sbarrier.arrive $0xFFFF;
	s2 =	simm.s32 @!p0 $0x1C06  }
0x86: {  	[timem:s3], [sflag:s2] =	dma.local @!p0 [hbm:s0], s1  }
0x87: {  	s0 =	simm.s32 @!p0 $0x6  }
0x88: {  	_ =	swait.ge @!p0 [sflag:s0], s1  }
0x89: {  	s1 =	ssub.s32 @!p0 $0x0, s1;
	[sflag:s0] =	ssyncset.done @!p0 $0x0  }
0x8a: {  	[sflag:s0] =	ssyncadd.s32 @!p0 s1  }
0x8b: {  	[bflag:$0x3] =	sbarrier.arrive $0xFFFF  }
0x8c: {  	_ =	shalt  }

</sc_bundles>
